<compile_context>
chip_gen: v7x
topology: tpu7x:2x2x1
jax: 0.10.2.dev20260603
libtpu: 0.0.44.dev20260713+nightly
codegen_flags: <defaults>
</compile_context>

<pallas_src>
import functools

import jax
import jax.numpy as jnp
from jax import lax
from jax.experimental import pallas as pl
from jax.experimental.pallas import tpu as pltpu
from jax.experimental.pallas import tpu_sc as plsc

N_NODES = 10000
N_EDGES = 320000
NUM_RELS = 64
D = 128

NC = 2
NS = 16
NW = NC * NS
BLOCK = 64
CHUNK = 8
NCHUNK = 20
NBLK = CHUNK * NCHUNK
EPW = NBLK * BLOCK
PAD_E = EPW * NW
ROWS = 10112
RPS = ROWS // NS


def _tc_pre(emb_h_r, emb_e_r, rel_wt_r, w_h_r, w_e_r, agg_w_r, agg_b_r,
            a_o, qb_o):
    dn = (((1,), (1,)), ((), ()))
    wa = lax.dot_general(w_h_r[...], agg_w_r[...], dn,
                         preferred_element_type=jnp.float32)
    a_o[...] = jnp.dot(emb_h_r[...], wa, preferred_element_type=jnp.float32)
    wea = lax.dot_general(w_e_r[...], agg_w_r[...], dn,
                          preferred_element_type=jnp.float32)
    t = jnp.dot(emb_e_r[...], wea, preferred_element_type=jnp.float32)
    qb_o[...] = (jnp.dot(rel_wt_r[...], t, preferred_element_type=jnp.float32)
                 + agg_b_r[...][None, :])


def _sc_edges(a_h, qb_h, idx_h, zs_h, zc_h, s_out, c_out,
              idxc, ra0, ra1, rq0, rq1, ones_v, shr_s, shr_c, shr_qb,
              sa0, sa1, sq0, sq1, ss0, ss1):
    cid = lax.axis_index("core")
    sid = lax.axis_index("subcore")
    wid = cid * NS + sid

    row0 = sid * RPS
    pltpu.sync_copy(zs_h.at[pl.ds(row0, RPS)], shr_s.at[pl.ds(row0, RPS)])

    @pl.when(sid < NS - 1)
    def _():
        pltpu.sync_copy(zc_h.at[pl.ds(sid * 640, 640)],
                        shr_c.at[pl.ds(sid * 640, 640)])

    @pl.when(sid == NS - 1)
    def _():
        pltpu.sync_copy(zc_h.at[pl.ds(9600, 512)],
                        shr_c.at[pl.ds(9600, 512)])

    @pl.when(sid == 0)
    def _():
        pltpu.sync_copy(qb_h, shr_qb)

    @pl.loop(0, BLOCK, step=16)
    def _(i):
        ones_v[pl.ds(i, 16)] = jnp.full((16,), 1.0, jnp.float32)

    plsc.subcore_barrier()

    ra = (ra0, ra1)
    rq = (rq0, rq1)
    sa = (sa0, sa1)
    sq = (sq0, sq1)
    ss = (ss0, ss1)

    def start(p, j, k):
        pltpu.async_copy(a_h.at[idxc.at[p, j + k, 0]], ra[k], sa[k])
        pltpu.async_copy(shr_qb.at[idxc.at[p, j + k, 1]], rq[k], sq[k])

    def drain(bprev, k):
        pltpu.make_async_copy(zs_h.at[pl.ds(0, BLOCK)], ra[k], sa[k]).wait()
        pltpu.make_async_copy(zs_h.at[pl.ds(0, BLOCK)], rq[k], sq[k]).wait()
        a_buf, q_buf = ra[k], rq[k]

        @plsc.parallel_loop(0, BLOCK, unroll=4)
        def _(e):
            for c in range(D // 16):
                sl = pl.ds(c * 16, 16)
                a_buf[e, sl] = jnp.maximum(a_buf[e, sl] + q_buf[e, sl], 0.0)

        pp = lax.rem(lax.div(bprev, CHUNK), 2)
        jj = lax.rem(bprev, CHUNK)
        dst_row = idxc.at[pp, jj, 2]
        pltpu.async_copy(a_buf, shr_s.at[dst_row], ss[k], add=True)
        pltpu.async_copy(ones_v, shr_c.at[dst_row], ss[k], add=True)

    def scatter_wait(k):
        pltpu.make_async_copy(zs_h.at[pl.ds(0, BLOCK)], ra[k], ss[k]).wait()
        pltpu.make_async_copy(zc_h.at[pl.ds(0, BLOCK)], ones_v, ss[k]).wait()

    @pl.loop(0, NCHUNK)
    def _(c):
        p = lax.rem(c, 2)
        pltpu.sync_copy(idx_h.at[wid * NCHUNK + c], idxc.at[p])

        @pl.loop(0, CHUNK, step=2)
        def _(j):
            for k in (0, 1):
                b = c * CHUNK + j + k

                @pl.when(b >= 2)
                def _():
                    scatter_wait(k)

                start(p, j, k)

                @pl.when(b > 0)
                def _():
                    drain(b - 1, 1 - k)

    drain(NBLK - 1, 1)
    scatter_wait(0)
    scatter_wait(1)

    plsc.subcore_barrier()
    pltpu.sync_copy(shr_s.at[pl.ds(row0, RPS)],
                    s_out.at[cid, pl.ds(row0, RPS)])

    @pl.when(sid < NS - 1)
    def _():
        pltpu.sync_copy(shr_c.at[pl.ds(sid * 640, 640)],
                        c_out.at[pl.ds(cid * ROWS + sid * 640, 640)])

    @pl.when(sid == NS - 1)
    def _():
        pltpu.sync_copy(shr_c.at[pl.ds(9600, 512)],
                        c_out.at[pl.ds(cid * ROWS + 9600, 512)])


def _tc_post(s_r, c_r, gamma_r, beta_r, f0w_r, f0b_r, f1w_r, f1b_r,
             f2w_r, f2b_r, out_r):
    dn = (((1,), (1,)), ((), ()))
    s = s_r[0, :N_NODES, :] + s_r[1, :N_NODES, :]
    cnt = c_r[:N_NODES] + c_r[ROWS:ROWS + N_NODES]
    h = s / jnp.maximum(cnt, 1.0)[:, None]
    mu = jnp.mean(h, axis=0)
    var = jnp.mean((h - mu[None, :]) ** 2, axis=0)
    h = gamma_r[...][None, :] * (h - mu[None, :]) / jnp.sqrt(var + 1e-5)[None, :]
    h = jnp.maximum(h + beta_r[...][None, :], 0.0)
    y = lax.dot_general(h, f0w_r[...], dn, preferred_element_type=jnp.float32)
    y = jnp.maximum(y + f0b_r[...][None, :], 0.0)
    y = lax.dot_general(y, f1w_r[...], dn, preferred_element_type=jnp.float32)
    y = jnp.maximum(y + f1b_r[...][None, :], 0.0)
    y = lax.dot_general(y, f2w_r[...], dn, preferred_element_type=jnp.float32)
    out_r[...] = y + f2b_r[...][None, :]


_edge_call = pl.kernel(
    _sc_edges,
    out_type=(
        jax.ShapeDtypeStruct((NC, ROWS, D), jnp.float32),
        jax.ShapeDtypeStruct((NC * ROWS,), jnp.float32),
    ),
    mesh=plsc.VectorSubcoreMesh(core_axis_name="core",
                                subcore_axis_name="subcore"),
    scratch_types=[
        pltpu.VMEM((2, CHUNK, 3, BLOCK), jnp.int32),
        pltpu.VMEM((BLOCK, D), jnp.float32),
        pltpu.VMEM((BLOCK, D), jnp.float32),
        pltpu.VMEM((BLOCK, D), jnp.float32),
        pltpu.VMEM((BLOCK, D), jnp.float32),
        pltpu.VMEM((BLOCK,), jnp.float32),
        pltpu.VMEM_SHARED((ROWS, D), jnp.float32),
        pltpu.VMEM_SHARED((ROWS,), jnp.float32),
        pltpu.VMEM_SHARED((NUM_RELS, D), jnp.float32),
        pltpu.SemaphoreType.DMA,
        pltpu.SemaphoreType.DMA,
        pltpu.SemaphoreType.DMA,
        pltpu.SemaphoreType.DMA,
        pltpu.SemaphoreType.DMA,
        pltpu.SemaphoreType.DMA,
    ],
)


def kernel(trip_index, etypes, emb_h, emb_e, rel_wt, W_h, W_e, aggW, aggb,
           gamma, beta, fc0W, fc0b, fc1W, fc1b, fc2W, fc2b):
    src = trip_index[:, 1]
    dst = trip_index[:, 2]
    pad = PAD_E - N_EDGES
    src_p = jnp.concatenate([src, jnp.zeros((pad,), src.dtype)])
    et_p = jnp.concatenate([etypes, jnp.zeros((pad,), etypes.dtype)])
    dst_p = jnp.concatenate([dst, jnp.full((pad,), N_NODES, dst.dtype)])
    shp = (NW * NCHUNK, CHUNK, BLOCK)
    idx_all = jnp.stack(
        [src_p.reshape(shp), et_p.reshape(shp), dst_p.reshape(shp)], axis=2)

    a, qb = pl.pallas_call(
        _tc_pre,
        out_shape=(
            jax.ShapeDtypeStruct((N_NODES, D), jnp.float32),
            jax.ShapeDtypeStruct((NUM_RELS, D), jnp.float32),
        ),
    )(emb_h, emb_e, rel_wt, W_h, W_e, aggW, aggb)

    zs = jnp.zeros((ROWS, D), jnp.float32)
    zc = jnp.zeros((ROWS,), jnp.float32)
    s_part, c_part = _edge_call(a, qb, idx_all, zs, zc)

    logits = pl.pallas_call(
        _tc_post,
        out_shape=jax.ShapeDtypeStruct((N_NODES, 16), jnp.float32),
    )(s_part, c_part, gamma, beta, fc0W, fc0b, fc1W, fc1b, fc2W, fc2b)
    return logits

# --- scband reference (transcript-rebuilt; emitter-appended) ---
"""Pipeline reference for scband-network-6631429505499 (READ-ONLY COPY).

The authoritative reference and input builder live on the scoring server;
editing this copy changes nothing except your own understanding.
"""

import jax, jax.numpy as jnp
import numpy as np

N_NODES = 10000
N_EDGES = 320000
NUM_RELS = 64
NUM_BASE_R = 16
INIT_FEA_DIM = 128
FEATURE_DIM = 128
NUM_CLASSES = 16


def setup_inputs(seed: int = 0) -> dict:
    key = jax.random.key(seed)
    ks = jax.random.split(key, 20)
    trip_index = jax.random.randint(ks[0], (N_EDGES, 3), 0, N_NODES)
    etypes = jax.random.randint(ks[1], (N_EDGES,), 0, NUM_RELS)
    emb_h = jax.random.normal(ks[2], (N_NODES, INIT_FEA_DIM), jnp.float32)
    emb_e = jax.random.normal(ks[3], (NUM_BASE_R, INIT_FEA_DIM), jnp.float32)
    rel_wt = jax.random.normal(ks[4], (NUM_RELS, NUM_BASE_R), jnp.float32) * 0.1
    W_h = jax.random.normal(ks[5], (INIT_FEA_DIM, FEATURE_DIM), jnp.float32) * 0.05
    W_e = jax.random.normal(ks[6], (INIT_FEA_DIM, FEATURE_DIM), jnp.float32) * 0.05
    aggW = jax.random.normal(ks[7], (FEATURE_DIM, FEATURE_DIM), jnp.float32) * 0.05
    aggb = jnp.zeros((FEATURE_DIM,), jnp.float32)
    gamma = jnp.ones((FEATURE_DIM,), jnp.float32)
    beta = jnp.zeros((FEATURE_DIM,), jnp.float32)
    fc0W = jax.random.normal(ks[8], (FEATURE_DIM // 2, FEATURE_DIM), jnp.float32) * 0.05
    fc0b = jnp.zeros((FEATURE_DIM // 2,), jnp.float32)
    fc1W = jax.random.normal(ks[9], (FEATURE_DIM // 4, FEATURE_DIM // 2), jnp.float32) * 0.05
    fc1b = jnp.zeros((FEATURE_DIM // 4,), jnp.float32)
    fc2W = jax.random.normal(ks[10], (NUM_CLASSES, FEATURE_DIM // 4), jnp.float32) * 0.05
    fc2b = jnp.zeros((NUM_CLASSES,), jnp.float32)
    return {"trip_index": trip_index, "etypes": etypes, "emb_h": emb_h, "emb_e": emb_e,
            "rel_wt": rel_wt, "W_h": W_h, "W_e": W_e, "aggW": aggW, "aggb": aggb,
            "gamma": gamma, "beta": beta, "fc0W": fc0W, "fc0b": fc0b,
            "fc1W": fc1W, "fc1b": fc1b, "fc2W": fc2W, "fc2b": fc2b}


def reference(trip_index, etypes, emb_h, emb_e, rel_wt, W_h, W_e, aggW, aggb,
              gamma, beta, fc0W, fc0b, fc1W, fc1b, fc2W, fc2b):
    # block edge list: indices = all edges (EID = arange); src = col 1, dst = col 2
    src = trip_index[:, 1]
    dst = trip_index[:, 2]
    # src_embed = embedding_h_init(embedding_h(src))
    src_embed = jnp.take(emb_h, src, axis=0) @ W_h
    # edges_embed = embedding_e_init(rel_wt[etypes] @ embedding_e(rel_num))
    edges_embed = (jnp.take(rel_wt, etypes, axis=0) @ emb_e) @ W_e
    # mean_aggre: msg = relu(linear(src_emb [+ edge feat])) ; reduce_mean over dst mailbox
    msg = jax.nn.relu((src_embed + edges_embed) @ aggW.T + aggb)
    n = emb_h.shape[0]
    s = jax.ops.segment_sum(msg, dst, num_segments=n)
    cnt = jax.ops.segment_sum(jnp.ones((msg.shape[0],), msg.dtype), dst, num_segments=n)
    h = s / jnp.maximum(cnt, 1.0)[:, None]
    # BatchNorm1d (training-mode batch statistics) + ReLU
    mu = jnp.mean(h, axis=0)
    var = jnp.var(h, axis=0)
    h = gamma * (h - mu) / jnp.sqrt(var + 1e-5) + beta
    h = jax.nn.relu(h)
    # MLPClassifier, L=2
    y = jax.nn.relu(h @ fc0W.T + fc0b)
    y = jax.nn.relu(y @ fc1W.T + fc1b)
    logits = y @ fc2W.T + fc2b
    return logits

if __name__ == "__main__":
    import jax
    _d = setup_inputs()
    print(jax.jit(kernel)(*tuple(_d.values())))

</pallas_src>

<mosaic_0001>
#map = affine_map<(d0, d1) -> (0, 0)>
#map1 = affine_map<(d0, d1) -> (0, 0, 0, 0)>
#map2 = affine_map<(d0, d1) -> (0)>
#map3 = affine_map<(d0, d1) -> (0, 0, 0)>
module attributes {stable_mosaic.version = 14 : i64} {
  func.func @_sc_edges(%arg0: i32, %arg1: i32, %arg2: memref<10000x128xf32, #tpu.memory_space<hbm>>, %arg3: memref<64x128xf32, #tpu.memory_space<hbm>>, %arg4: memref<640x8x3x64xi32, #tpu.memory_space<hbm>>, %arg5: memref<10112x128xf32, #tpu.memory_space<hbm>>, %arg6: memref<10112xf32, #tpu.memory_space<hbm>>, %arg7: memref<2x10112x128xf32, #tpu.memory_space<hbm>>, %arg8: memref<20224xf32, #tpu.memory_space<hbm>>, %arg9: memref<2x8x3x64xi32, #tpu.memory_space<vmem>>, %arg10: memref<64x128xf32, #tpu.memory_space<vmem>>, %arg11: memref<64x128xf32, #tpu.memory_space<vmem>>, %arg12: memref<64x128xf32, #tpu.memory_space<vmem>>, %arg13: memref<64x128xf32, #tpu.memory_space<vmem>>, %arg14: memref<64xf32, #tpu.memory_space<vmem>>, %arg15: memref<10112x128xf32, #tpu.memory_space<vmem_shared>>, %arg16: memref<10112xf32, #tpu.memory_space<vmem_shared>>, %arg17: memref<64x128xf32, #tpu.memory_space<vmem_shared>>, %arg18: memref<!tpu.dma_semaphore, #tpu.memory_space<semaphore_mem>>, %arg19: memref<!tpu.dma_semaphore, #tpu.memory_space<semaphore_mem>>, %arg20: memref<!tpu.dma_semaphore, #tpu.memory_space<semaphore_mem>>, %arg21: memref<!tpu.dma_semaphore, #tpu.memory_space<semaphore_mem>>, %arg22: memref<!tpu.dma_semaphore, #tpu.memory_space<semaphore_mem>>, %arg23: memref<!tpu.dma_semaphore, #tpu.memory_space<semaphore_mem>>) attributes {dimension_semantics = [#tpu.dimension_semantics<core_parallel>, #tpu.dimension_semantics<subcore_parallel>], iteration_bounds = array<i64: 2, 16>, scalar_prefetch = 0 : i64, scratch_operands = 15 : i64, tpu.core_type = #tpu.core_type<sc_vector_subcore>, window_params = [{transform_indices = #map}, {transform_indices = #map}, {transform_indices = #map1}, {transform_indices = #map}, {transform_indices = #map2}, {transform_indices = #map3}, {transform_indices = #map2}]} {
    %mul3A = arith.constant 16 : i32
    %mul3A_0 = arith.muli %arg0, %mul3A : i32
    %add3A = arith.addi %mul3A_0, %arg1 : i32
    %mul3A_1 = arith.constant 632 : i32
    %mul3A_2 = arith.muli %arg1, %mul3A_1 : i32
    "tpu.region"() ({
      %run_scoped3A = tpu.sem_alloc : memref<!tpu.dma_semaphore, #tpu.memory_space<semaphore_mem>>
      %dma_start3A_85 = arith.constant 0 : i32
      %dma_start3A_86 = tpu.memref_slice %arg15[%mul3A_2, %dma_start3A_85] : memref<10112x128xf32, #tpu.memory_space<vmem_shared>> -> memref<632x128xf32, #tpu.memory_space<vmem_shared>>
      %dma_start3A_87 = arith.constant 0 : i32
      %dma_start3A_88 = tpu.memref_slice %arg5[%mul3A_2, %dma_start3A_87] : memref<10112x128xf32, #tpu.memory_space<hbm>> -> memref<632x128xf32, #tpu.memory_space<hbm>>
      tpu.enqueue_dma source(%dma_start3A_88 : memref<632x128xf32, #tpu.memory_space<hbm>>) target(%dma_start3A_86 : memref<632x128xf32, #tpu.memory_space<vmem_shared>>) target_semaphore(%run_scoped3A : memref<!tpu.dma_semaphore, #tpu.memory_space<semaphore_mem>>)
      %dma_wait3A_89 = arith.constant 0 : i32
      %dma_wait3A_90 = tpu.memref_slice %arg15[%mul3A_2, %dma_wait3A_89] : memref<10112x128xf32, #tpu.memory_space<vmem_shared>> -> memref<632x128xf32, #tpu.memory_space<vmem_shared>>
      %dma_wait3A_91 = arith.constant 0 : i32
      %dma_wait3A_92 = tpu.memref_slice %arg5[%mul3A_2, %dma_wait3A_91] : memref<10112x128xf32, #tpu.memory_space<hbm>> -> memref<632x128xf32, #tpu.memory_space<hbm>>
      tpu.wait_dma2 semaphore(%run_scoped3A : memref<!tpu.dma_semaphore, #tpu.memory_space<semaphore_mem>>) src(%dma_wait3A_92 : memref<632x128xf32, #tpu.memory_space<hbm>>) dst(%dma_wait3A_90 : memref<632x128xf32, #tpu.memory_space<vmem_shared>>)
      tpu.yield
    }) : () -> ()
    %lt3A = arith.constant 15 : i32
    %lt3A_3 = arith.cmpi slt, %arg1, %lt3A : i32
    %convert_element_type3A = arith.extui %lt3A_3 : i1 to i32
    %cond3A = arith.constant 0 : i32
    %cond3A_4 = arith.cmpi ne, %convert_element_type3A, %cond3A : i32
    scf.if %cond3A_4 {
      %mul3A_85 = arith.constant 640 : i32
      %mul3A_86 = arith.muli %arg1, %mul3A_85 : i32
      %mul3A_87 = arith.constant 640 : i32
      %mul3A_88 = arith.muli %arg1, %mul3A_87 : i32
      "tpu.region"() ({
        %run_scoped3A = tpu.sem_alloc : memref<!tpu.dma_semaphore, #tpu.memory_space<semaphore_mem>>
        %dma_start3A_89 = tpu.memref_slice %arg16[%mul3A_88] : memref<10112xf32, #tpu.memory_space<vmem_shared>> -> memref<640xf32, #tpu.memory_space<vmem_shared>>
        %dma_start3A_90 = tpu.memref_slice %arg6[%mul3A_86] : memref<10112xf32, #tpu.memory_space<hbm>> -> memref<640xf32, #tpu.memory_space<hbm>>
        tpu.enqueue_dma source(%dma_start3A_90 : memref<640xf32, #tpu.memory_space<hbm>>) target(%dma_start3A_89 : memref<640xf32, #tpu.memory_space<vmem_shared>>) target_semaphore(%run_scoped3A : memref<!tpu.dma_semaphore, #tpu.memory_space<semaphore_mem>>)
        %dma_wait3A_91 = tpu.memref_slice %arg16[%mul3A_88] : memref<10112xf32, #tpu.memory_space<vmem_shared>> -> memref<640xf32, #tpu.memory_space<vmem_shared>>
        %dma_wait3A_92 = tpu.memref_slice %arg6[%mul3A_86] : memref<10112xf32, #tpu.memory_space<hbm>> -> memref<640xf32, #tpu.memory_space<hbm>>
        tpu.wait_dma2 semaphore(%run_scoped3A : memref<!tpu.dma_semaphore, #tpu.memory_space<semaphore_mem>>) src(%dma_wait3A_92 : memref<640xf32, #tpu.memory_space<hbm>>) dst(%dma_wait3A_91 : memref<640xf32, #tpu.memory_space<vmem_shared>>)
        tpu.yield
      }) : () -> ()
    } else {
    }
    %eq3A = arith.constant 15 : i32
    %eq3A_5 = arith.cmpi eq, %arg1, %eq3A : i32
    %convert_element_type3A_6 = arith.extui %eq3A_5 : i1 to i32
    %cond3A_7 = arith.constant 0 : i32
    %cond3A_8 = arith.cmpi ne, %convert_element_type3A_6, %cond3A_7 : i32
    scf.if %cond3A_8 {
      "tpu.region"() ({
        %run_scoped3A = tpu.sem_alloc : memref<!tpu.dma_semaphore, #tpu.memory_space<semaphore_mem>>
        %dma_start3A_85 = arith.constant 9600 : i32
        %dma_start3A_86 = tpu.memref_slice %arg16[%dma_start3A_85] : memref<10112xf32, #tpu.memory_space<vmem_shared>> -> memref<512xf32, #tpu.memory_space<vmem_shared>>
        %dma_start3A_87 = arith.constant 9600 : i32
        %dma_start3A_88 = tpu.memref_slice %arg6[%dma_start3A_87] : memref<10112xf32, #tpu.memory_space<hbm>> -> memref<512xf32, #tpu.memory_space<hbm>>
        tpu.enqueue_dma source(%dma_start3A_88 : memref<512xf32, #tpu.memory_space<hbm>>) target(%dma_start3A_86 : memref<512xf32, #tpu.memory_space<vmem_shared>>) target_semaphore(%run_scoped3A : memref<!tpu.dma_semaphore, #tpu.memory_space<semaphore_mem>>)
        %dma_wait3A_89 = arith.constant 9600 : i32
        %dma_wait3A_90 = tpu.memref_slice %arg16[%dma_wait3A_89] : memref<10112xf32, #tpu.memory_space<vmem_shared>> -> memref<512xf32, #tpu.memory_space<vmem_shared>>
        %dma_wait3A_91 = arith.constant 9600 : i32
        %dma_wait3A_92 = tpu.memref_slice %arg6[%dma_wait3A_91] : memref<10112xf32, #tpu.memory_space<hbm>> -> memref<512xf32, #tpu.memory_space<hbm>>
        tpu.wait_dma2 semaphore(%run_scoped3A : memref<!tpu.dma_semaphore, #tpu.memory_space<semaphore_mem>>) src(%dma_wait3A_92 : memref<512xf32, #tpu.memory_space<hbm>>) dst(%dma_wait3A_90 : memref<512xf32, #tpu.memory_space<vmem_shared>>)
        tpu.yield
      }) : () -> ()
    } else {
    }
    %eq3A_9 = arith.constant 0 : i32
    %eq3A_10 = arith.cmpi eq, %arg1, %eq3A_9 : i32
    %convert_element_type3A_11 = arith.extui %eq3A_10 : i1 to i32
    %cond3A_12 = arith.constant 0 : i32
    %cond3A_13 = arith.cmpi ne, %convert_element_type3A_11, %cond3A_12 : i32
    scf.if %cond3A_13 {
      "tpu.region"() ({
        %run_scoped3A = tpu.sem_alloc : memref<!tpu.dma_semaphore, #tpu.memory_space<semaphore_mem>>
        tpu.enqueue_dma source(%arg3 : memref<64x128xf32, #tpu.memory_space<hbm>>) target(%arg17 : memref<64x128xf32, #tpu.memory_space<vmem_shared>>) target_semaphore(%run_scoped3A : memref<!tpu.dma_semaphore, #tpu.memory_space<semaphore_mem>>)
        tpu.wait_dma2 semaphore(%run_scoped3A : memref<!tpu.dma_semaphore, #tpu.memory_space<semaphore_mem>>) src(%arg3 : memref<64x128xf32, #tpu.memory_space<hbm>>) dst(%arg17 : memref<64x128xf32, #tpu.memory_space<vmem_shared>>)
        tpu.yield
      }) : () -> ()
    } else {
    }
    %scan3A = arith.constant 0 : i32
    %scan3A_14 = arith.constant 4 : i32
    %scan3A_15 = arith.addi %scan3A, %scan3A_14 : i32
    %scan3A_16 = arith.constant 1 : i32
    scf.for %scan3A_85 = %scan3A to %scan3A_15 step %scan3A_16  : i32 {
      %mul3A_86 = arith.constant 16 : i32
      %mul3A_87 = arith.muli %scan3A_85, %mul3A_86 : i32
      %add3A_88 = arith.constant 0 : i32
      %add3A_89 = arith.addi %add3A_88, %mul3A_87 : i32
      %broadcast_in_dim3A = arith.constant 1.000000e+00 : f32
      %broadcast_in_dim3A_90 = vector.broadcast %broadcast_in_dim3A : f32 to vector<16xf32>
      %swap3A = arith.index_cast %add3A_89 : i32 to index
      %swap3A_91 = tpu.vector_load %arg14[%swap3A] {strides = array<i32>} : memref<64xf32, #tpu.memory_space<vmem>>, vector<16xf32>,
      %swap3A_92 = vector.shape_cast %swap3A_91 : vector<16xf32> to vector<16xf32>
      %swap3A_93 = vector.shape_cast %broadcast_in_dim3A_90 : vector<16xf32> to vector<16xf32>
      tpu.vector_store %arg14[%swap3A], %swap3A_93 {strides = array<i32>} : memref<64xf32, #tpu.memory_space<vmem>>, vector<16xf32>,
    }
    %scan3A_17 = arith.constant 4 : i32
    %barrier3A = arith.constant 0 : index
    tpu.barrier barrier_id(%barrier3A)
    %scan3A_18 = arith.constant 0 : i32
    %scan3A_19 = arith.constant 20 : i32
    %scan3A_20 = arith.addi %scan3A_18, %scan3A_19 : i32
    %scan3A_21 = arith.constant 1 : i32
    scf.for %scan3A_85 = %scan3A_18 to %scan3A_20 step %scan3A_21  : i32 {
      %mul3A_86 = arith.constant 1 : i32
      %mul3A_87 = arith.muli %scan3A_85, %mul3A_86 : i32
      %add3A_88 = arith.constant 0 : i32
      %add3A_89 = arith.addi %add3A_88, %mul3A_87 : i32
      %rem3A_90 = arith.constant 2 : i32
      %rem3A_91 = arith.remsi %add3A_89, %rem3A_90 : i32
      %mul3A_92 = arith.constant 20 : i32
      %mul3A_93 = arith.muli %add3A, %mul3A_92 : i32
      %add3A_94 = arith.addi %mul3A_93, %add3A_89 : i32
      "tpu.region"() ({
        %run_scoped3A = tpu.sem_alloc : memref<!tpu.dma_semaphore, #tpu.memory_space<semaphore_mem>>
        %dma_start3A_100 = arith.constant 0 : i32
        %dma_start3A_101 = arith.constant 0 : i32
        %dma_start3A_102 = arith.constant 0 : i32
        %dma_start3A_103 = tpu.memref_slice %arg9[%rem3A_91, %dma_start3A_100, %dma_start3A_101, %dma_start3A_102] : memref<2x8x3x64xi32, #tpu.memory_space<vmem>> -> memref<1x8x3x64xi32, #tpu.memory_space<vmem>>
        %dma_start3A_104 = tpu.memref_squeeze %dma_start3A_103 : memref<1x8x3x64xi32, #tpu.memory_space<vmem>> -> memref<8x3x64xi32, #tpu.memory_space<vmem>>
        %dma_start3A_105 = arith.constant 0 : i32
        %dma_start3A_106 = arith.constant 0 : i32
        %dma_start3A_107 = arith.constant 0 : i32
        %dma_start3A_108 = tpu.memref_slice %arg4[%add3A_94, %dma_start3A_105, %dma_start3A_106, %dma_start3A_107] : memref<640x8x3x64xi32, #tpu.memory_space<hbm>> -> memref<1x8x3x64xi32, #tpu.memory_space<hbm>>
        %dma_start3A_109 = tpu.memref_squeeze %dma_start3A_108 : memref<1x8x3x64xi32, #tpu.memory_space<hbm>> -> memref<8x3x64xi32, #tpu.memory_space<hbm>>
        %dma_start3A_110 = arith.constant 0 : i32
        %dma_start3A_111 = arith.constant 0 : i32
        %dma_start3A_112 = arith.constant 0 : i32
        %dma_start3A_113 = tpu.memref_slice %arg9[%rem3A_91, %dma_start3A_110, %dma_start3A_111, %dma_start3A_112] : memref<2x8x3x64xi32, #tpu.memory_space<vmem>> -> memref<1x8x3x64xi32, #tpu.memory_space<vmem>>
        %dma_start3A_114 = tpu.memref_squeeze %dma_start3A_113 : memref<1x8x3x64xi32, #tpu.memory_space<vmem>> -> memref<8x3x64xi32, #tpu.memory_space<vmem>>
        %dma_start3A_115 = arith.constant 0 : i32
        %dma_start3A_116 = arith.constant 0 : i32
        %dma_start3A_117 = arith.constant 0 : i32
        %dma_start3A_118 = tpu.memref_slice %arg4[%add3A_94, %dma_start3A_115, %dma_start3A_116, %dma_start3A_117] : memref<640x8x3x64xi32, #tpu.memory_space<hbm>> -> memref<1x8x3x64xi32, #tpu.memory_space<hbm>>
        %dma_start3A_119 = tpu.memref_squeeze %dma_start3A_118 : memref<1x8x3x64xi32, #tpu.memory_space<hbm>> -> memref<8x3x64xi32, #tpu.memory_space<hbm>>
        tpu.enqueue_dma source(%dma_start3A_119 : memref<8x3x64xi32, #tpu.memory_space<hbm>>) target(%dma_start3A_114 : memref<8x3x64xi32, #tpu.memory_space<vmem>>) target_semaphore(%run_scoped3A : memref<!tpu.dma_semaphore, #tpu.memory_space<semaphore_mem>>)
        %dma_wait3A_120 = arith.constant 0 : i32
        %dma_wait3A_121 = arith.constant 0 : i32
        %dma_wait3A_122 = arith.constant 0 : i32
        %dma_wait3A_123 = tpu.memref_slice %arg9[%rem3A_91, %dma_wait3A_120, %dma_wait3A_121, %dma_wait3A_122] : memref<2x8x3x64xi32, #tpu.memory_space<vmem>> -> memref<1x8x3x64xi32, #tpu.memory_space<vmem>>
        %dma_wait3A_124 = tpu.memref_squeeze %dma_wait3A_123 : memref<1x8x3x64xi32, #tpu.memory_space<vmem>> -> memref<8x3x64xi32, #tpu.memory_space<vmem>>
        %dma_wait3A_125 = arith.constant 0 : i32
        %dma_wait3A_126 = arith.constant 0 : i32
        %dma_wait3A_127 = arith.constant 0 : i32
        %dma_wait3A_128 = tpu.memref_slice %arg4[%add3A_94, %dma_wait3A_125, %dma_wait3A_126, %dma_wait3A_127] : memref<640x8x3x64xi32, #tpu.memory_space<hbm>> -> memref<1x8x3x64xi32, #tpu.memory_space<hbm>>
        %dma_wait3A_129 = tpu.memref_squeeze %dma_wait3A_128 : memref<1x8x3x64xi32, #tpu.memory_space<hbm>> -> memref<8x3x64xi32, #tpu.memory_space<hbm>>
        %dma_wait3A_130 = arith.constant 0 : i32
        %dma_wait3A_131 = arith.constant 0 : i32
        %dma_wait3A_132 = arith.constant 0 : i32
        %dma_wait3A_133 = tpu.memref_slice %arg9[%rem3A_91, %dma_wait3A_130, %dma_wait3A_131, %dma_wait3A_132] : memref<2x8x3x64xi32, #tpu.memory_space<vmem>> -> memref<1x8x3x64xi32, #tpu.memory_space<vmem>>
        %dma_wait3A_134 = tpu.memref_squeeze %dma_wait3A_133 : memref<1x8x3x64xi32, #tpu.memory_space<vmem>> -> memref<8x3x64xi32, #tpu.memory_space<vmem>>
        %dma_wait3A_135 = arith.constant 0 : i32
        %dma_wait3A_136 = arith.constant 0 : i32
        %dma_wait3A_137 = arith.constant 0 : i32
        %dma_wait3A_138 = tpu.memref_slice %arg4[%add3A_94, %dma_wait3A_135, %dma_wait3A_136, %dma_wait3A_137] : memref<640x8x3x64xi32, #tpu.memory_space<hbm>> -> memref<1x8x3x64xi32, #tpu.memory_space<hbm>>
        %dma_wait3A_139 = tpu.memref_squeeze %dma_wait3A_138 : memref<1x8x3x64xi32, #tpu.memory_space<hbm>> -> memref<8x3x64xi32, #tpu.memory_space<hbm>>
        tpu.wait_dma2 semaphore(%run_scoped3A : memref<!tpu.dma_semaphore, #tpu.memory_space<semaphore_mem>>) src(%dma_wait3A_139 : memref<8x3x64xi32, #tpu.memory_space<hbm>>) dst(%dma_wait3A_134 : memref<8x3x64xi32, #tpu.memory_space<vmem>>)
        tpu.yield
      }) : () -> ()
      %scan3A_95 = arith.constant 0 : i32
      %scan3A_96 = arith.constant 4 : i32
      %scan3A_97 = arith.addi %scan3A_95, %scan3A_96 : i32
      %scan3A_98 = arith.constant 1 : i32
      scf.for %scan3A_100 = %scan3A_95 to %scan3A_97 step %scan3A_98  : i32 {
        %mul3A_101 = arith.constant 2 : i32
        %mul3A_102 = arith.muli %scan3A_100, %mul3A_101 : i32
        %add3A_103 = arith.constant 0 : i32
        %add3A_104 = arith.addi %add3A_103, %mul3A_102 : i32
        %mul3A_105 = arith.constant 8 : i32
        %mul3A_106 = arith.muli %add3A_89, %mul3A_105 : i32
        %add3A_107 = arith.addi %mul3A_106, %add3A_104 : i32
        %add3A_108 = arith.constant 0 : i32
        %add3A_109 = arith.addi %add3A_107, %add3A_108 : i32
        %ge3A = arith.constant 2 : i32
        %ge3A_110 = arith.cmpi sge, %add3A_109, %ge3A : i32
        %convert_element_type3A_111 = arith.extui %ge3A_110 : i1 to i32
        %cond3A_112 = arith.constant 0 : i32
        %cond3A_113 = arith.cmpi ne, %convert_element_type3A_111, %cond3A_112 : i32
        scf.if %cond3A_113 {
          %dma_wait3A_169 = arith.constant 0 : i32
          %dma_wait3A_170 = arith.constant 0 : i32
          %dma_wait3A_171 = tpu.memref_slice %arg5[%dma_wait3A_169, %dma_wait3A_170] : memref<10112x128xf32, #tpu.memory_space<hbm>> -> memref<64x128xf32, #tpu.memory_space<hbm>>
          %dma_wait3A_172 = arith.constant 0 : i32
          %dma_wait3A_173 = arith.constant 0 : i32
          %dma_wait3A_174 = tpu.memref_slice %arg5[%dma_wait3A_172, %dma_wait3A_173] : memref<10112x128xf32, #tpu.memory_space<hbm>> -> memref<64x128xf32, #tpu.memory_space<hbm>>
          tpu.wait_dma2 semaphore(%arg22 : memref<!tpu.dma_semaphore, #tpu.memory_space<semaphore_mem>>) src(%dma_wait3A_174 : memref<64x128xf32, #tpu.memory_space<hbm>>) dst(%arg10 : memref<64x128xf32, #tpu.memory_space<vmem>>)
          %dma_wait3A_175 = arith.constant 0 : i32
          %dma_wait3A_176 = tpu.memref_slice %arg6[%dma_wait3A_175] : memref<10112xf32, #tpu.memory_space<hbm>> -> memref<64xf32, #tpu.memory_space<hbm>>
          %dma_wait3A_177 = arith.constant 0 : i32
          %dma_wait3A_178 = tpu.memref_slice %arg6[%dma_wait3A_177] : memref<10112xf32, #tpu.memory_space<hbm>> -> memref<64xf32, #tpu.memory_space<hbm>>
          tpu.wait_dma2 semaphore(%arg22 : memref<!tpu.dma_semaphore, #tpu.memory_space<semaphore_mem>>) src(%dma_wait3A_178 : memref<64xf32, #tpu.memory_space<hbm>>) dst(%arg14 : memref<64xf32, #tpu.memory_space<vmem>>)
        } else {
        }
        %add3A_114 = arith.constant 0 : i32
        %add3A_115 = arith.addi %add3A_104, %add3A_114 : i32
        %dma_start3A_116 = arith.constant 0 : i32
        %dma_start3A_117 = arith.constant 0 : i32
        %dma_start3A_118 = tpu.memref_slice %arg9[%rem3A_91, %add3A_115, %dma_start3A_116, %dma_start3A_117] : memref<2x8x3x64xi32, #tpu.memory_space<vmem>> -> memref<1x1x1x64xi32, #tpu.memory_space<vmem>>
        %dma_start3A_119 = tpu.memref_squeeze %dma_start3A_118 : memref<1x1x1x64xi32, #tpu.memory_space<vmem>> -> memref<64xi32, #tpu.memory_space<vmem>>
        %dma_start3A_120 = arith.constant 0 : i32
        %dma_start3A_121 = arith.constant 0 : i32
        %dma_start3A_122 = tpu.memref_slice %arg2[%dma_start3A_120, %dma_start3A_121] : memref<10000x128xf32, #tpu.memory_space<hbm>> -> memref<10000x128xf32, #tpu.memory_space<hbm>>
        tpu.enqueue_indirect_dma source(%dma_start3A_122 : memref<10000x128xf32, #tpu.memory_space<hbm>>) target(%arg10 : memref<64x128xf32, #tpu.memory_space<vmem>>) offsets(%dma_start3A_119 : memref<64xi32, #tpu.memory_space<vmem>>) semaphore(%arg18 : memref<!tpu.dma_semaphore, #tpu.memory_space<semaphore_mem>>)
        %add3A_123 = arith.constant 0 : i32
        %add3A_124 = arith.addi %add3A_104, %add3A_123 : i32
        %dma_start3A_125 = arith.constant 1 : i32
        %dma_start3A_126 = arith.constant 0 : i32
        %dma_start3A_127 = tpu.memref_slice %arg9[%rem3A_91, %add3A_124, %dma_start3A_125, %dma_start3A_126] : memref<2x8x3x64xi32, #tpu.memory_space<vmem>> -> memref<1x1x1x64xi32, #tpu.memory_space<vmem>>
        %dma_start3A_128 = tpu.memref_squeeze %dma_start3A_127 : memref<1x1x1x64xi32, #tpu.memory_space<vmem>> -> memref<64xi32, #tpu.memory_space<vmem>>
        %dma_start3A_129 = arith.constant 0 : i32
        %dma_start3A_130 = arith.constant 0 : i32
        %dma_start3A_131 = tpu.memref_slice %arg17[%dma_start3A_129, %dma_start3A_130] : memref<64x128xf32, #tpu.memory_space<vmem_shared>> -> memref<64x128xf32, #tpu.memory_space<vmem_shared>>
        tpu.enqueue_indirect_dma source(%dma_start3A_131 : memref<64x128xf32, #tpu.memory_space<vmem_shared>>) target(%arg12 : memref<64x128xf32, #tpu.memory_space<vmem>>) offsets(%dma_start3A_128 : memref<64xi32, #tpu.memory_space<vmem>>) semaphore(%arg20 : memref<!tpu.dma_semaphore, #tpu.memory_space<semaphore_mem>>)
        %gt3A = arith.constant 0 : i32
        %gt3A_132 = arith.cmpi sgt, %add3A_109, %gt3A : i32
        %convert_element_type3A_133 = arith.extui %gt3A_132 : i1 to i32
        %cond3A_134 = arith.constant 0 : i32
        %cond3A_135 = arith.cmpi ne, %convert_element_type3A_133, %cond3A_134 : i32
        scf.if %cond3A_135 {
          %sub3A = arith.constant 1 : i32
          %sub3A_169 = arith.subi %add3A_109, %sub3A : i32
          %dma_wait3A_170 = arith.constant 0 : i32
          %dma_wait3A_171 = arith.constant 0 : i32
          %dma_wait3A_172 = tpu.memref_slice %arg5[%dma_wait3A_170, %dma_wait3A_171] : memref<10112x128xf32, #tpu.memory_space<hbm>> -> memref<64x128xf32, #tpu.memory_space<hbm>>
          %dma_wait3A_173 = arith.constant 0 : i32
          %dma_wait3A_174 = arith.constant 0 : i32
          %dma_wait3A_175 = tpu.memref_slice %arg5[%dma_wait3A_173, %dma_wait3A_174] : memref<10112x128xf32, #tpu.memory_space<hbm>> -> memref<64x128xf32, #tpu.memory_space<hbm>>
          tpu.wait_dma2 semaphore(%arg19 : memref<!tpu.dma_semaphore, #tpu.memory_space<semaphore_mem>>) src(%dma_wait3A_175 : memref<64x128xf32, #tpu.memory_space<hbm>>) dst(%arg11 : memref<64x128xf32, #tpu.memory_space<vmem>>)
          %dma_wait3A_176 = arith.constant 0 : i32
          %dma_wait3A_177 = arith.constant 0 : i32
          %dma_wait3A_178 = tpu.memref_slice %arg5[%dma_wait3A_176, %dma_wait3A_177] : memref<10112x128xf32, #tpu.memory_space<hbm>> -> memref<64x128xf32, #tpu.memory_space<hbm>>
          %dma_wait3A_179 = arith.constant 0 : i32
          %dma_wait3A_180 = arith.constant 0 : i32
          %dma_wait3A_181 = tpu.memref_slice %arg5[%dma_wait3A_179, %dma_wait3A_180] : memref<10112x128xf32, #tpu.memory_space<hbm>> -> memref<64x128xf32, #tpu.memory_space<hbm>>
          tpu.wait_dma2 semaphore(%arg21 : memref<!tpu.dma_semaphore, #tpu.memory_space<semaphore_mem>>) src(%dma_wait3A_181 : memref<64x128xf32, #tpu.memory_space<hbm>>) dst(%arg13 : memref<64x128xf32, #tpu.memory_space<vmem>>)
          %parallel_loop3A_182 = arith.constant 0 : i32
          %parallel_loop3A_183 = arith.constant 64 : i32
          %parallel_loop3A_184 = arith.constant 1 : i32
          scf.for %parallel_loop3A_204 = %parallel_loop3A_182 to %parallel_loop3A_183 step %parallel_loop3A_184  : i32 {
            %parallel_loop3A_205 = arith.index_cast %parallel_loop3A_204 : i32 to index
            %parallel_loop3A_206 = arith.constant 0 : index
            %parallel_loop3A_207 = tpu.vector_load %arg11[%parallel_loop3A_205, %parallel_loop3A_206] {strides = array<i32>} : memref<64x128xf32, #tpu.memory_space<vmem>>, vector<1x16xf32>,
            %parallel_loop3A_208 = vector.shape_cast %parallel_loop3A_207 : vector<1x16xf32> to vector<16xf32>
            %parallel_loop3A_209 = arith.index_cast %parallel_loop3A_204 : i32 to index
            %parallel_loop3A_210 = arith.constant 0 : index
            %parallel_loop3A_211 = tpu.vector_load %arg13[%parallel_loop3A_209, %parallel_loop3A_210] {strides = array<i32>} : memref<64x128xf32, #tpu.memory_space<vmem>>, vector<1x16xf32>,
            %parallel_loop3A_212 = vector.shape_cast %parallel_loop3A_211 : vector<1x16xf32> to vector<16xf32>
            %parallel_loop3A_213 = arith.addf %parallel_loop3A_208, %parallel_loop3A_212 : vector<16xf32>
            %parallel_loop3A_214 = arith.constant 0.000000e+00 : f32
            %parallel_loop3A_215 = vector.broadcast %parallel_loop3A_214 : f32 to vector<16xf32>
            %parallel_loop3A_216 = arith.maximumf %parallel_loop3A_213, %parallel_loop3A_215 : vector<16xf32>
            %parallel_loop3A_217 = arith.index_cast %parallel_loop3A_204 : i32 to index
            %parallel_loop3A_218 = arith.constant 0 : index
            %parallel_loop3A_219 = tpu.vector_load %arg11[%parallel_loop3A_217, %parallel_loop3A_218] {strides = array<i32>} : memref<64x128xf32, #tpu.memory_space<vmem>>, vector<1x16xf32>,
            %parallel_loop3A_220 = vector.shape_cast %parallel_loop3A_219 : vector<1x16xf32> to vector<16xf32>
            %parallel_loop3A_221 = vector.shape_cast %parallel_loop3A_216 : vector<16xf32> to vector<1x16xf32>
            tpu.vector_store %arg11[%parallel_loop3A_217, %parallel_loop3A_218], %parallel_loop3A_221 {strides = array<i32>} : memref<64x128xf32, #tpu.memory_space<vmem>>, vector<1x16xf32>,
            %parallel_loop3A_222 = arith.index_cast %parallel_loop3A_204 : i32 to index
            %parallel_loop3A_223 = arith.constant 16 : index
            %parallel_loop3A_224 = tpu.vector_load %arg11[%parallel_loop3A_222, %parallel_loop3A_223] {strides = array<i32>} : memref<64x128xf32, #tpu.memory_space<vmem>>, vector<1x16xf32>,
            %parallel_loop3A_225 = vector.shape_cast %parallel_loop3A_224 : vector<1x16xf32> to vector<16xf32>
            %parallel_loop3A_226 = arith.index_cast %parallel_loop3A_204 : i32 to index
            %parallel_loop3A_227 = arith.constant 16 : index
            %parallel_loop3A_228 = tpu.vector_load %arg13[%parallel_loop3A_226, %parallel_loop3A_227] {strides = array<i32>} : memref<64x128xf32, #tpu.memory_space<vmem>>, vector<1x16xf32>,
            %parallel_loop3A_229 = vector.shape_cast %parallel_loop3A_228 : vector<1x16xf32> to vector<16xf32>
            %parallel_loop3A_230 = arith.addf %parallel_loop3A_225, %parallel_loop3A_229 : vector<16xf32>
            %parallel_loop3A_231 = arith.constant 0.000000e+00 : f32
            %parallel_loop3A_232 = vector.broadcast %parallel_loop3A_231 : f32 to vector<16xf32>
            %parallel_loop3A_233 = arith.maximumf %parallel_loop3A_230, %parallel_loop3A_232 : vector<16xf32>
            %parallel_loop3A_234 = arith.index_cast %parallel_loop3A_204 : i32 to index
            %parallel_loop3A_235 = arith.constant 16 : index
            %parallel_loop3A_236 = tpu.vector_load %arg11[%parallel_loop3A_234, %parallel_loop3A_235] {strides = array<i32>} : memref<64x128xf32, #tpu.memory_space<vmem>>, vector<1x16xf32>,
            %parallel_loop3A_237 = vector.shape_cast %parallel_loop3A_236 : vector<1x16xf32> to vector<16xf32>
            %parallel_loop3A_238 = vector.shape_cast %parallel_loop3A_233 : vector<16xf32> to vector<1x16xf32>
            tpu.vector_store %arg11[%parallel_loop3A_234, %parallel_loop3A_235], %parallel_loop3A_238 {strides = array<i32>} : memref<64x128xf32, #tpu.memory_space<vmem>>, vector<1x16xf32>,
            %parallel_loop3A_239 = arith.index_cast %parallel_loop3A_204 : i32 to index
            %parallel_loop3A_240 = arith.constant 32 : index
            %parallel_loop3A_241 = tpu.vector_load %arg11[%parallel_loop3A_239, %parallel_loop3A_240] {strides = array<i32>} : memref<64x128xf32, #tpu.memory_space<vmem>>, vector<1x16xf32>,
            %parallel_loop3A_242 = vector.shape_cast %parallel_loop3A_241 : vector<1x16xf32> to vector<16xf32>
            %parallel_loop3A_243 = arith.index_cast %parallel_loop3A_204 : i32 to index
            %parallel_loop3A_244 = arith.constant 32 : index
            %parallel_loop3A_245 = tpu.vector_load %arg13[%parallel_loop3A_243, %parallel_loop3A_244] {strides = array<i32>} : memref<64x128xf32, #tpu.memory_space<vmem>>, vector<1x16xf32>,
            %parallel_loop3A_246 = vector.shape_cast %parallel_loop3A_245 : vector<1x16xf32> to vector<16xf32>
            %parallel_loop3A_247 = arith.addf %parallel_loop3A_242, %parallel_loop3A_246 : vector<16xf32>
            %parallel_loop3A_248 = arith.constant 0.000000e+00 : f32
            %parallel_loop3A_249 = vector.broadcast %parallel_loop3A_248 : f32 to vector<16xf32>
            %parallel_loop3A_250 = arith.maximumf %parallel_loop3A_247, %parallel_loop3A_249 : vector<16xf32>
            %parallel_loop3A_251 = arith.index_cast %parallel_loop3A_204 : i32 to index
            %parallel_loop3A_252 = arith.constant 32 : index
            %parallel_loop3A_253 = tpu.vector_load %arg11[%parallel_loop3A_251, %parallel_loop3A_252] {strides = array<i32>} : memref<64x128xf32, #tpu.memory_space<vmem>>, vector<1x16xf32>,
            %parallel_loop3A_254 = vector.shape_cast %parallel_loop3A_253 : vector<1x16xf32> to vector<16xf32>
            %parallel_loop3A_255 = vector.shape_cast %parallel_loop3A_250 : vector<16xf32> to vector<1x16xf32>
            tpu.vector_store %arg11[%parallel_loop3A_251, %parallel_loop3A_252], %parallel_loop3A_255 {strides = array<i32>} : memref<64x128xf32, #tpu.memory_space<vmem>>, vector<1x16xf32>,
            %parallel_loop3A_256 = arith.index_cast %parallel_loop3A_204 : i32 to index
            %parallel_loop3A_257 = arith.constant 48 : index
            %parallel_loop3A_258 = tpu.vector_load %arg11[%parallel_loop3A_256, %parallel_loop3A_257] {strides = array<i32>} : memref<64x128xf32, #tpu.memory_space<vmem>>, vector<1x16xf32>,
            %parallel_loop3A_259 = vector.shape_cast %parallel_loop3A_258 : vector<1x16xf32> to vector<16xf32>
            %parallel_loop3A_260 = arith.index_cast %parallel_loop3A_204 : i32 to index
            %parallel_loop3A_261 = arith.constant 48 : index
            %parallel_loop3A_262 = tpu.vector_load %arg13[%parallel_loop3A_260, %parallel_loop3A_261] {strides = array<i32>} : memref<64x128xf32, #tpu.memory_space<vmem>>, vector<1x16xf32>,
            %parallel_loop3A_263 = vector.shape_cast %parallel_loop3A_262 : vector<1x16xf32> to vector<16xf32>
            %parallel_loop3A_264 = arith.addf %parallel_loop3A_259, %parallel_loop3A_263 : vector<16xf32>
            %parallel_loop3A_265 = arith.constant 0.000000e+00 : f32
            %parallel_loop3A_266 = vector.broadcast %parallel_loop3A_265 : f32 to vector<16xf32>
            %parallel_loop3A_267 = arith.maximumf %parallel_loop3A_264, %parallel_loop3A_266 : vector<16xf32>
            %parallel_loop3A_268 = arith.index_cast %parallel_loop3A_204 : i32 to index
            %parallel_loop3A_269 = arith.constant 48 : index
            %parallel_loop3A_270 = tpu.vector_load %arg11[%parallel_loop3A_268, %parallel_loop3A_269] {strides = array<i32>} : memref<64x128xf32, #tpu.memory_space<vmem>>, vector<1x16xf32>,
            %parallel_loop3A_271 = vector.shape_cast %parallel_loop3A_270 : vector<1x16xf32> to vector<16xf32>
            %parallel_loop3A_272 = vector.shape_cast %parallel_loop3A_267 : vector<16xf32> to vector<1x16xf32>
            tpu.vector_store %arg11[%parallel_loop3A_268, %parallel_loop3A_269], %parallel_loop3A_272 {strides = array<i32>} : memref<64x128xf32, #tpu.memory_space<vmem>>, vector<1x16xf32>,
            %parallel_loop3A_273 = arith.index_cast %parallel_loop3A_204 : i32 to index
            %parallel_loop3A_274 = arith.constant 64 : index
            %parallel_loop3A_275 = tpu.vector_load %arg11[%parallel_loop3A_273, %parallel_loop3A_274] {strides = array<i32>} : memref<64x128xf32, #tpu.memory_space<vmem>>, vector<1x16xf32>,
            %parallel_loop3A_276 = vector.shape_cast %parallel_loop3A_275 : vector<1x16xf32> to vector<16xf32>
            %parallel_loop3A_277 = arith.index_cast %parallel_loop3A_204 : i32 to index
            %parallel_loop3A_278 = arith.constant 64 : index
            %parallel_loop3A_279 = tpu.vector_load %arg13[%parallel_loop3A_277, %parallel_loop3A_278] {strides = array<i32>} : memref<64x128xf32, #tpu.memory_space<vmem>>, vector<1x16xf32>,
            %parallel_loop3A_280 = vector.shape_cast %parallel_loop3A_279 : vector<1x16xf32> to vector<16xf32>
            %parallel_loop3A_281 = arith.addf %parallel_loop3A_276, %parallel_loop3A_280 : vector<16xf32>
            %parallel_loop3A_282 = arith.constant 0.000000e+00 : f32
            %parallel_loop3A_283 = vector.broadcast %parallel_loop3A_282 : f32 to vector<16xf32>
            %parallel_loop3A_284 = arith.maximumf %parallel_loop3A_281, %parallel_loop3A_283 : vector<16xf32>
            %parallel_loop3A_285 = arith.index_cast %parallel_loop3A_204 : i32 to index
            %parallel_loop3A_286 = arith.constant 64 : index
            %parallel_loop3A_287 = tpu.vector_load %arg11[%parallel_loop3A_285, %parallel_loop3A_286] {strides = array<i32>} : memref<64x128xf32, #tpu.memory_space<vmem>>, vector<1x16xf32>,
            %parallel_loop3A_288 = vector.shape_cast %parallel_loop3A_287 : vector<1x16xf32> to vector<16xf32>
            %parallel_loop3A_289 = vector.shape_cast %parallel_loop3A_284 : vector<16xf32> to vector<1x16xf32>
            tpu.vector_store %arg11[%parallel_loop3A_285, %parallel_loop3A_286], %parallel_loop3A_289 {strides = array<i32>} : memref<64x128xf32, #tpu.memory_space<vmem>>, vector<1x16xf32>,
            %parallel_loop3A_290 = arith.index_cast %parallel_loop3A_204 : i32 to index
            %parallel_loop3A_291 = arith.constant 80 : index
            %parallel_loop3A_292 = tpu.vector_load %arg11[%parallel_loop3A_290, %parallel_loop3A_291] {strides = array<i32>} : memref<64x128xf32, #tpu.memory_space<vmem>>, vector<1x16xf32>,
            %parallel_loop3A_293 = vector.shape_cast %parallel_loop3A_292 : vector<1x16xf32> to vector<16xf32>
            %parallel_loop3A_294 = arith.index_cast %parallel_loop3A_204 : i32 to index
            %parallel_loop3A_295 = arith.constant 80 : index
            %parallel_loop3A_296 = tpu.vector_load %arg13[%parallel_loop3A_294, %parallel_loop3A_295] {strides = array<i32>} : memref<64x128xf32, #tpu.memory_space<vmem>>, vector<1x16xf32>,
            %parallel_loop3A_297 = vector.shape_cast %parallel_loop3A_296 : vector<1x16xf32> to vector<16xf32>
            %parallel_loop3A_298 = arith.addf %parallel_loop3A_293, %parallel_loop3A_297 : vector<16xf32>
            %parallel_loop3A_299 = arith.constant 0.000000e+00 : f32
            %parallel_loop3A_300 = vector.broadcast %parallel_loop3A_299 : f32 to vector<16xf32>
            %parallel_loop3A_301 = arith.maximumf %parallel_loop3A_298, %parallel_loop3A_300 : vector<16xf32>
            %parallel_loop3A_302 = arith.index_cast %parallel_loop3A_204 : i32 to index
            %parallel_loop3A_303 = arith.constant 80 : index
            %parallel_loop3A_304 = tpu.vector_load %arg11[%parallel_loop3A_302, %parallel_loop3A_303] {strides = array<i32>} : memref<64x128xf32, #tpu.memory_space<vmem>>, vector<1x16xf32>,
            %parallel_loop3A_305 = vector.shape_cast %parallel_loop3A_304 : vector<1x16xf32> to vector<16xf32>
            %parallel_loop3A_306 = vector.shape_cast %parallel_loop3A_301 : vector<16xf32> to vector<1x16xf32>
            tpu.vector_store %arg11[%parallel_loop3A_302, %parallel_loop3A_303], %parallel_loop3A_306 {strides = array<i32>} : memref<64x128xf32, #tpu.memory_space<vmem>>, vector<1x16xf32>,
            %parallel_loop3A_307 = arith.index_cast %parallel_loop3A_204 : i32 to index
            %parallel_loop3A_308 = arith.constant 96 : index
            %parallel_loop3A_309 = tpu.vector_load %arg11[%parallel_loop3A_307, %parallel_loop3A_308] {strides = array<i32>} : memref<64x128xf32, #tpu.memory_space<vmem>>, vector<1x16xf32>,
            %parallel_loop3A_310 = vector.shape_cast %parallel_loop3A_309 : vector<1x16xf32> to vector<16xf32>
            %parallel_loop3A_311 = arith.index_cast %parallel_loop3A_204 : i32 to index
            %parallel_loop3A_312 = arith.constant 96 : index
            %parallel_loop3A_313 = tpu.vector_load %arg13[%parallel_loop3A_311, %parallel_loop3A_312] {strides = array<i32>} : memref<64x128xf32, #tpu.memory_space<vmem>>, vector<1x16xf32>,
            %parallel_loop3A_314 = vector.shape_cast %parallel_loop3A_313 : vector<1x16xf32> to vector<16xf32>
            %parallel_loop3A_315 = arith.addf %parallel_loop3A_310, %parallel_loop3A_314 : vector<16xf32>
            %parallel_loop3A_316 = arith.constant 0.000000e+00 : f32
            %parallel_loop3A_317 = vector.broadcast %parallel_loop3A_316 : f32 to vector<16xf32>
            %parallel_loop3A_318 = arith.maximumf %parallel_loop3A_315, %parallel_loop3A_317 : vector<16xf32>
            %parallel_loop3A_319 = arith.index_cast %parallel_loop3A_204 : i32 to index
            %parallel_loop3A_320 = arith.constant 96 : index
            %parallel_loop3A_321 = tpu.vector_load %arg11[%parallel_loop3A_319, %parallel_loop3A_320] {strides = array<i32>} : memref<64x128xf32, #tpu.memory_space<vmem>>, vector<1x16xf32>,
            %parallel_loop3A_322 = vector.shape_cast %parallel_loop3A_321 : vector<1x16xf32> to vector<16xf32>
            %parallel_loop3A_323 = vector.shape_cast %parallel_loop3A_318 : vector<16xf32> to vector<1x16xf32>
            tpu.vector_store %arg11[%parallel_loop3A_319, %parallel_loop3A_320], %parallel_loop3A_323 {strides = array<i32>} : memref<64x128xf32, #tpu.memory_space<vmem>>, vector<1x16xf32>,
            %parallel_loop3A_324 = arith.index_cast %parallel_loop3A_204 : i32 to index
            %parallel_loop3A_325 = arith.constant 112 : index
            %parallel_loop3A_326 = tpu.vector_load %arg11[%parallel_loop3A_324, %parallel_loop3A_325] {strides = array<i32>} : memref<64x128xf32, #tpu.memory_space<vmem>>, vector<1x16xf32>,
            %parallel_loop3A_327 = vector.shape_cast %parallel_loop3A_326 : vector<1x16xf32> to vector<16xf32>
            %parallel_loop3A_328 = arith.index_cast %parallel_loop3A_204 : i32 to index
            %parallel_loop3A_329 = arith.constant 112 : index
            %parallel_loop3A_330 = tpu.vector_load %arg13[%parallel_loop3A_328, %parallel_loop3A_329] {strides = array<i32>} : memref<64x128xf32, #tpu.memory_space<vmem>>, vector<1x16xf32>,
            %parallel_loop3A_331 = vector.shape_cast %parallel_loop3A_330 : vector<1x16xf32> to vector<16xf32>
            %parallel_loop3A_332 = arith.addf %parallel_loop3A_327, %parallel_loop3A_331 : vector<16xf32>
            %parallel_loop3A_333 = arith.constant 0.000000e+00 : f32
            %parallel_loop3A_334 = vector.broadcast %parallel_loop3A_333 : f32 to vector<16xf32>
            %parallel_loop3A_335 = arith.maximumf %parallel_loop3A_332, %parallel_loop3A_334 : vector<16xf32>
            %parallel_loop3A_336 = arith.index_cast %parallel_loop3A_204 : i32 to index
            %parallel_loop3A_337 = arith.constant 112 : index
            %parallel_loop3A_338 = tpu.vector_load %arg11[%parallel_loop3A_336, %parallel_loop3A_337] {strides = array<i32>} : memref<64x128xf32, #tpu.memory_space<vmem>>, vector<1x16xf32>,
            %parallel_loop3A_339 = vector.shape_cast %parallel_loop3A_338 : vector<1x16xf32> to vector<16xf32>
            %parallel_loop3A_340 = vector.shape_cast %parallel_loop3A_335 : vector<16xf32> to vector<1x16xf32>
            tpu.vector_store %arg11[%parallel_loop3A_336, %parallel_loop3A_337], %parallel_loop3A_340 {strides = array<i32>} : memref<64x128xf32, #tpu.memory_space<vmem>>, vector<1x16xf32>,
          } {sc.loop_unroll_factor = 4 : i64, sc.parallel_access}
          %div3A_185 = arith.constant 8 : i32
          %div3A_186 = arith.divsi %sub3A_169, %div3A_185 : i32
          %rem3A_187 = arith.constant 2 : i32
          %rem3A_188 = arith.remsi %div3A_186, %rem3A_187 : i32
          %rem3A_189 = arith.constant 8 : i32
          %rem3A_190 = arith.remsi %sub3A_169, %rem3A_189 : i32
          %dma_start3A_191 = arith.constant 2 : i32
          %dma_start3A_192 = arith.constant 0 : i32
          %dma_start3A_193 = tpu.memref_slice %arg9[%rem3A_188, %rem3A_190, %dma_start3A_191, %dma_start3A_192] : memref<2x8x3x64xi32, #tpu.memory_space<vmem>> -> memref<1x1x1x64xi32, #tpu.memory_space<vmem>>
          %dma_start3A_194 = tpu.memref_squeeze %dma_start3A_193 : memref<1x1x1x64xi32, #tpu.memory_space<vmem>> -> memref<64xi32, #tpu.memory_space<vmem>>
          %dma_start3A_195 = arith.constant 0 : i32
          %dma_start3A_196 = arith.constant 0 : i32
          %dma_start3A_197 = tpu.memref_slice %arg15[%dma_start3A_195, %dma_start3A_196] : memref<10112x128xf32, #tpu.memory_space<vmem_shared>> -> memref<10112x128xf32, #tpu.memory_space<vmem_shared>>
          tpu.enqueue_indirect_dma source(%arg11 : memref<64x128xf32, #tpu.memory_space<vmem>>) target(%dma_start3A_197 : memref<10112x128xf32, #tpu.memory_space<vmem_shared>>) offsets(%dma_start3A_194 : memref<64xi32, #tpu.memory_space<vmem>>) semaphore(%arg23 : memref<!tpu.dma_semaphore, #tpu.memory_space<semaphore_mem>>) {add = true}
          %dma_start3A_198 = arith.constant 2 : i32
          %dma_start3A_199 = arith.constant 0 : i32
          %dma_start3A_200 = tpu.memref_slice %arg9[%rem3A_188, %rem3A_190, %dma_start3A_198, %dma_start3A_199] : memref<2x8x3x64xi32, #tpu.memory_space<vmem>> -> memref<1x1x1x64xi32, #tpu.memory_space<vmem>>
          %dma_start3A_201 = tpu.memref_squeeze %dma_start3A_200 : memref<1x1x1x64xi32, #tpu.memory_space<vmem>> -> memref<64xi32, #tpu.memory_space<vmem>>
          %dma_start3A_202 = arith.constant 0 : i32
          %dma_start3A_203 = tpu.memref_slice %arg16[%dma_start3A_202] : memref<10112xf32, #tpu.memory_space<vmem_shared>> -> memref<10112xf32, #tpu.memory_space<vmem_shared>>
          tpu.enqueue_indirect_dma source(%arg14 : memref<64xf32, #tpu.memory_space<vmem>>) target(%dma_start3A_203 : memref<10112xf32, #tpu.memory_space<vmem_shared>>) offsets(%dma_start3A_201 : memref<64xi32, #tpu.memory_space<vmem>>) semaphore(%arg23 : memref<!tpu.dma_semaphore, #tpu.memory_space<semaphore_mem>>) {add = true}
        } else {
        }
        %mul3A_136 = arith.constant 8 : i32
        %mul3A_137 = arith.muli %add3A_89, %mul3A_136 : i32
        %add3A_138 = arith.addi %mul3A_137, %add3A_104 : i32
        %add3A_139 = arith.constant 1 : i32
        %add3A_140 = arith.addi %add3A_138, %add3A_139 : i32
        %ge3A_141 = arith.constant 2 : i32
        %ge3A_142 = arith.cmpi sge, %add3A_140, %ge3A_141 : i32
        %convert_element_type3A_143 = arith.extui %ge3A_142 : i1 to i32
        %cond3A_144 = arith.constant 0 : i32
        %cond3A_145 = arith.cmpi ne, %convert_element_type3A_143, %cond3A_144 : i32
        scf.if %cond3A_145 {
          %dma_wait3A_169 = arith.constant 0 : i32
          %dma_wait3A_170 = arith.constant 0 : i32
          %dma_wait3A_171 = tpu.memref_slice %arg5[%dma_wait3A_169, %dma_wait3A_170] : memref<10112x128xf32, #tpu.memory_space<hbm>> -> memref<64x128xf32, #tpu.memory_space<hbm>>
          %dma_wait3A_172 = arith.constant 0 : i32
          %dma_wait3A_173 = arith.constant 0 : i32
          %dma_wait3A_174 = tpu.memref_slice %arg5[%dma_wait3A_172, %dma_wait3A_173] : memref<10112x128xf32, #tpu.memory_space<hbm>> -> memref<64x128xf32, #tpu.memory_space<hbm>>
          tpu.wait_dma2 semaphore(%arg23 : memref<!tpu.dma_semaphore, #tpu.memory_space<semaphore_mem>>) src(%dma_wait3A_174 : memref<64x128xf32, #tpu.memory_space<hbm>>) dst(%arg11 : memref<64x128xf32, #tpu.memory_space<vmem>>)
          %dma_wait3A_175 = arith.constant 0 : i32
          %dma_wait3A_176 = tpu.memref_slice %arg6[%dma_wait3A_175] : memref<10112xf32, #tpu.memory_space<hbm>> -> memref<64xf32, #tpu.memory_space<hbm>>
          %dma_wait3A_177 = arith.constant 0 : i32
          %dma_wait3A_178 = tpu.memref_slice %arg6[%dma_wait3A_177] : memref<10112xf32, #tpu.memory_space<hbm>> -> memref<64xf32, #tpu.memory_space<hbm>>
          tpu.wait_dma2 semaphore(%arg23 : memref<!tpu.dma_semaphore, #tpu.memory_space<semaphore_mem>>) src(%dma_wait3A_178 : memref<64xf32, #tpu.memory_space<hbm>>) dst(%arg14 : memref<64xf32, #tpu.memory_space<vmem>>)
        } else {
        }
        %add3A_146 = arith.constant 1 : i32
        %add3A_147 = arith.addi %add3A_104, %add3A_146 : i32
        %dma_start3A_148 = arith.constant 0 : i32
        %dma_start3A_149 = arith.constant 0 : i32
        %dma_start3A_150 = tpu.memref_slice %arg9[%rem3A_91, %add3A_147, %dma_start3A_148, %dma_start3A_149] : memref<2x8x3x64xi32, #tpu.memory_space<vmem>> -> memref<1x1x1x64xi32, #tpu.memory_space<vmem>>
        %dma_start3A_151 = tpu.memref_squeeze %dma_start3A_150 : memref<1x1x1x64xi32, #tpu.memory_space<vmem>> -> memref<64xi32, #tpu.memory_space<vmem>>
        %dma_start3A_152 = arith.constant 0 : i32
        %dma_start3A_153 = arith.constant 0 : i32
        %dma_start3A_154 = tpu.memref_slice %arg2[%dma_start3A_152, %dma_start3A_153] : memref<10000x128xf32, #tpu.memory_space<hbm>> -> memref<10000x128xf32, #tpu.memory_space<hbm>>
        tpu.enqueue_indirect_dma source(%dma_start3A_154 : memref<10000x128xf32, #tpu.memory_space<hbm>>) target(%arg11 : memref<64x128xf32, #tpu.memory_space<vmem>>) offsets(%dma_start3A_151 : memref<64xi32, #tpu.memory_space<vmem>>) semaphore(%arg19 : memref<!tpu.dma_semaphore, #tpu.memory_space<semaphore_mem>>)
        %add3A_155 = arith.constant 1 : i32
        %add3A_156 = arith.addi %add3A_104, %add3A_155 : i32
        %dma_start3A_157 = arith.constant 1 : i32
        %dma_start3A_158 = arith.constant 0 : i32
        %dma_start3A_159 = tpu.memref_slice %arg9[%rem3A_91, %add3A_156, %dma_start3A_157, %dma_start3A_158] : memref<2x8x3x64xi32, #tpu.memory_space<vmem>> -> memref<1x1x1x64xi32, #tpu.memory_space<vmem>>
        %dma_start3A_160 = tpu.memref_squeeze %dma_start3A_159 : memref<1x1x1x64xi32, #tpu.memory_space<vmem>> -> memref<64xi32, #tpu.memory_space<vmem>>
        %dma_start3A_161 = arith.constant 0 : i32
        %dma_start3A_162 = arith.constant 0 : i32
        %dma_start3A_163 = tpu.memref_slice %arg17[%dma_start3A_161, %dma_start3A_162] : memref<64x128xf32, #tpu.memory_space<vmem_shared>> -> memref<64x128xf32, #tpu.memory_space<vmem_shared>>
        tpu.enqueue_indirect_dma source(%dma_start3A_163 : memref<64x128xf32, #tpu.memory_space<vmem_shared>>) target(%arg13 : memref<64x128xf32, #tpu.memory_space<vmem>>) offsets(%dma_start3A_160 : memref<64xi32, #tpu.memory_space<vmem>>) semaphore(%arg21 : memref<!tpu.dma_semaphore, #tpu.memory_space<semaphore_mem>>)
        %gt3A_164 = arith.constant 0 : i32
        %gt3A_165 = arith.cmpi sgt, %add3A_140, %gt3A_164 : i32
        %convert_element_type3A_166 = arith.extui %gt3A_165 : i1 to i32
        %cond3A_167 = arith.constant 0 : i32
        %cond3A_168 = arith.cmpi ne, %convert_element_type3A_166, %cond3A_167 : i32
        scf.if %cond3A_168 {
          %sub3A = arith.constant 1 : i32
          %sub3A_169 = arith.subi %add3A_140, %sub3A : i32
          %dma_wait3A_170 = arith.constant 0 : i32
          %dma_wait3A_171 = arith.constant 0 : i32
          %dma_wait3A_172 = tpu.memref_slice %arg5[%dma_wait3A_170, %dma_wait3A_171] : memref<10112x128xf32, #tpu.memory_space<hbm>> -> memref<64x128xf32, #tpu.memory_space<hbm>>
          %dma_wait3A_173 = arith.constant 0 : i32
          %dma_wait3A_174 = arith.constant 0 : i32
          %dma_wait3A_175 = tpu.memref_slice %arg5[%dma_wait3A_173, %dma_wait3A_174] : memref<10112x128xf32, #tpu.memory_space<hbm>> -> memref<64x128xf32, #tpu.memory_space<hbm>>
          tpu.wait_dma2 semaphore(%arg18 : memref<!tpu.dma_semaphore, #tpu.memory_space<semaphore_mem>>) src(%dma_wait3A_175 : memref<64x128xf32, #tpu.memory_space<hbm>>) dst(%arg10 : memref<64x128xf32, #tpu.memory_space<vmem>>)
          %dma_wait3A_176 = arith.constant 0 : i32
          %dma_wait3A_177 = arith.constant 0 : i32
          %dma_wait3A_178 = tpu.memref_slice %arg5[%dma_wait3A_176, %dma_wait3A_177] : memref<10112x128xf32, #tpu.memory_space<hbm>> -> memref<64x128xf32, #tpu.memory_space<hbm>>
          %dma_wait3A_179 = arith.constant 0 : i32
          %dma_wait3A_180 = arith.constant 0 : i32
          %dma_wait3A_181 = tpu.memref_slice %arg5[%dma_wait3A_179, %dma_wait3A_180] : memref<10112x128xf32, #tpu.memory_space<hbm>> -> memref<64x128xf32, #tpu.memory_space<hbm>>
          tpu.wait_dma2 semaphore(%arg20 : memref<!tpu.dma_semaphore, #tpu.memory_space<semaphore_mem>>) src(%dma_wait3A_181 : memref<64x128xf32, #tpu.memory_space<hbm>>) dst(%arg12 : memref<64x128xf32, #tpu.memory_space<vmem>>)
          %parallel_loop3A_182 = arith.constant 0 : i32
          %parallel_loop3A_183 = arith.constant 64 : i32
          %parallel_loop3A_184 = arith.constant 1 : i32
          scf.for %parallel_loop3A_204 = %parallel_loop3A_182 to %parallel_loop3A_183 step %parallel_loop3A_184  : i32 {
            %parallel_loop3A_205 = arith.index_cast %parallel_loop3A_204 : i32 to index
            %parallel_loop3A_206 = arith.constant 0 : index
            %parallel_loop3A_207 = tpu.vector_load %arg10[%parallel_loop3A_205, %parallel_loop3A_206] {strides = array<i32>} : memref<64x128xf32, #tpu.memory_space<vmem>>, vector<1x16xf32>,
            %parallel_loop3A_208 = vector.shape_cast %parallel_loop3A_207 : vector<1x16xf32> to vector<16xf32>
            %parallel_loop3A_209 = arith.index_cast %parallel_loop3A_204 : i32 to index
            %parallel_loop3A_210 = arith.constant 0 : index
            %parallel_loop3A_211 = tpu.vector_load %arg12[%parallel_loop3A_209, %parallel_loop3A_210] {strides = array<i32>} : memref<64x128xf32, #tpu.memory_space<vmem>>, vector<1x16xf32>,
            %parallel_loop3A_212 = vector.shape_cast %parallel_loop3A_211 : vector<1x16xf32> to vector<16xf32>
            %parallel_loop3A_213 = arith.addf %parallel_loop3A_208, %parallel_loop3A_212 : vector<16xf32>
            %parallel_loop3A_214 = arith.constant 0.000000e+00 : f32
            %parallel_loop3A_215 = vector.broadcast %parallel_loop3A_214 : f32 to vector<16xf32>
            %parallel_loop3A_216 = arith.maximumf %parallel_loop3A_213, %parallel_loop3A_215 : vector<16xf32>
            %parallel_loop3A_217 = arith.index_cast %parallel_loop3A_204 : i32 to index
            %parallel_loop3A_218 = arith.constant 0 : index
            %parallel_loop3A_219 = tpu.vector_load %arg10[%parallel_loop3A_217, %parallel_loop3A_218] {strides = array<i32>} : memref<64x128xf32, #tpu.memory_space<vmem>>, vector<1x16xf32>,
            %parallel_loop3A_220 = vector.shape_cast %parallel_loop3A_219 : vector<1x16xf32> to vector<16xf32>
            %parallel_loop3A_221 = vector.shape_cast %parallel_loop3A_216 : vector<16xf32> to vector<1x16xf32>
            tpu.vector_store %arg10[%parallel_loop3A_217, %parallel_loop3A_218], %parallel_loop3A_221 {strides = array<i32>} : memref<64x128xf32, #tpu.memory_space<vmem>>, vector<1x16xf32>,
            %parallel_loop3A_222 = arith.index_cast %parallel_loop3A_204 : i32 to index
            %parallel_loop3A_223 = arith.constant 16 : index
            %parallel_loop3A_224 = tpu.vector_load %arg10[%parallel_loop3A_222, %parallel_loop3A_223] {strides = array<i32>} : memref<64x128xf32, #tpu.memory_space<vmem>>, vector<1x16xf32>,
            %parallel_loop3A_225 = vector.shape_cast %parallel_loop3A_224 : vector<1x16xf32> to vector<16xf32>
            %parallel_loop3A_226 = arith.index_cast %parallel_loop3A_204 : i32 to index
            %parallel_loop3A_227 = arith.constant 16 : index
            %parallel_loop3A_228 = tpu.vector_load %arg12[%parallel_loop3A_226, %parallel_loop3A_227] {strides = array<i32>} : memref<64x128xf32, #tpu.memory_space<vmem>>, vector<1x16xf32>,
            %parallel_loop3A_229 = vector.shape_cast %parallel_loop3A_228 : vector<1x16xf32> to vector<16xf32>
            %parallel_loop3A_230 = arith.addf %parallel_loop3A_225, %parallel_loop3A_229 : vector<16xf32>
            %parallel_loop3A_231 = arith.constant 0.000000e+00 : f32
            %parallel_loop3A_232 = vector.broadcast %parallel_loop3A_231 : f32 to vector<16xf32>
            %parallel_loop3A_233 = arith.maximumf %parallel_loop3A_230, %parallel_loop3A_232 : vector<16xf32>
            %parallel_loop3A_234 = arith.index_cast %parallel_loop3A_204 : i32 to index
            %parallel_loop3A_235 = arith.constant 16 : index
            %parallel_loop3A_236 = tpu.vector_load %arg10[%parallel_loop3A_234, %parallel_loop3A_235] {strides = array<i32>} : memref<64x128xf32, #tpu.memory_space<vmem>>, vector<1x16xf32>,
            %parallel_loop3A_237 = vector.shape_cast %parallel_loop3A_236 : vector<1x16xf32> to vector<16xf32>
            %parallel_loop3A_238 = vector.shape_cast %parallel_loop3A_233 : vector<16xf32> to vector<1x16xf32>
            tpu.vector_store %arg10[%parallel_loop3A_234, %parallel_loop3A_235], %parallel_loop3A_238 {strides = array<i32>} : memref<64x128xf32, #tpu.memory_space<vmem>>, vector<1x16xf32>,
            %parallel_loop3A_239 = arith.index_cast %parallel_loop3A_204 : i32 to index
            %parallel_loop3A_240 = arith.constant 32 : index
            %parallel_loop3A_241 = tpu.vector_load %arg10[%parallel_loop3A_239, %parallel_loop3A_240] {strides = array<i32>} : memref<64x128xf32, #tpu.memory_space<vmem>>, vector<1x16xf32>,
            %parallel_loop3A_242 = vector.shape_cast %parallel_loop3A_241 : vector<1x16xf32> to vector<16xf32>
            %parallel_loop3A_243 = arith.index_cast %parallel_loop3A_204 : i32 to index
            %parallel_loop3A_244 = arith.constant 32 : index
            %parallel_loop3A_245 = tpu.vector_load %arg12[%parallel_loop3A_243, %parallel_loop3A_244] {strides = array<i32>} : memref<64x128xf32, #tpu.memory_space<vmem>>, vector<1x16xf32>,
            %parallel_loop3A_246 = vector.shape_cast %parallel_loop3A_245 : vector<1x16xf32> to vector<16xf32>
            %parallel_loop3A_247 = arith.addf %parallel_loop3A_242, %parallel_loop3A_246 : vector<16xf32>
            %parallel_loop3A_248 = arith.constant 0.000000e+00 : f32
            %parallel_loop3A_249 = vector.broadcast %parallel_loop3A_248 : f32 to vector<16xf32>
            %parallel_loop3A_250 = arith.maximumf %parallel_loop3A_247, %parallel_loop3A_249 : vector<16xf32>
            %parallel_loop3A_251 = arith.index_cast %parallel_loop3A_204 : i32 to index
            %parallel_loop3A_252 = arith.constant 32 : index
            %parallel_loop3A_253 = tpu.vector_load %arg10[%parallel_loop3A_251, %parallel_loop3A_252] {strides = array<i32>} : memref<64x128xf32, #tpu.memory_space<vmem>>, vector<1x16xf32>,
            %parallel_loop3A_254 = vector.shape_cast %parallel_loop3A_253 : vector<1x16xf32> to vector<16xf32>
            %parallel_loop3A_255 = vector.shape_cast %parallel_loop3A_250 : vector<16xf32> to vector<1x16xf32>
            tpu.vector_store %arg10[%parallel_loop3A_251, %parallel_loop3A_252], %parallel_loop3A_255 {strides = array<i32>} : memref<64x128xf32, #tpu.memory_space<vmem>>, vector<1x16xf32>,
            %parallel_loop3A_256 = arith.index_cast %parallel_loop3A_204 : i32 to index
            %parallel_loop3A_257 = arith.constant 48 : index
            %parallel_loop3A_258 = tpu.vector_load %arg10[%parallel_loop3A_256, %parallel_loop3A_257] {strides = array<i32>} : memref<64x128xf32, #tpu.memory_space<vmem>>, vector<1x16xf32>,
            %parallel_loop3A_259 = vector.shape_cast %parallel_loop3A_258 : vector<1x16xf32> to vector<16xf32>
            %parallel_loop3A_260 = arith.index_cast %parallel_loop3A_204 : i32 to index
            %parallel_loop3A_261 = arith.constant 48 : index
            %parallel_loop3A_262 = tpu.vector_load %arg12[%parallel_loop3A_260, %parallel_loop3A_261] {strides = array<i32>} : memref<64x128xf32, #tpu.memory_space<vmem>>, vector<1x16xf32>,
            %parallel_loop3A_263 = vector.shape_cast %parallel_loop3A_262 : vector<1x16xf32> to vector<16xf32>
            %parallel_loop3A_264 = arith.addf %parallel_loop3A_259, %parallel_loop3A_263 : vector<16xf32>
            %parallel_loop3A_265 = arith.constant 0.000000e+00 : f32
            %parallel_loop3A_266 = vector.broadcast %parallel_loop3A_265 : f32 to vector<16xf32>
            %parallel_loop3A_267 = arith.maximumf %parallel_loop3A_264, %parallel_loop3A_266 : vector<16xf32>
            %parallel_loop3A_268 = arith.index_cast %parallel_loop3A_204 : i32 to index
            %parallel_loop3A_269 = arith.constant 48 : index
            %parallel_loop3A_270 = tpu.vector_load %arg10[%parallel_loop3A_268, %parallel_loop3A_269] {strides = array<i32>} : memref<64x128xf32, #tpu.memory_space<vmem>>, vector<1x16xf32>,
            %parallel_loop3A_271 = vector.shape_cast %parallel_loop3A_270 : vector<1x16xf32> to vector<16xf32>
            %parallel_loop3A_272 = vector.shape_cast %parallel_loop3A_267 : vector<16xf32> to vector<1x16xf32>
            tpu.vector_store %arg10[%parallel_loop3A_268, %parallel_loop3A_269], %parallel_loop3A_272 {strides = array<i32>} : memref<64x128xf32, #tpu.memory_space<vmem>>, vector<1x16xf32>,
            %parallel_loop3A_273 = arith.index_cast %parallel_loop3A_204 : i32 to index
            %parallel_loop3A_274 = arith.constant 64 : index
            %parallel_loop3A_275 = tpu.vector_load %arg10[%parallel_loop3A_273, %parallel_loop3A_274] {strides = array<i32>} : memref<64x128xf32, #tpu.memory_space<vmem>>, vector<1x16xf32>,
            %parallel_loop3A_276 = vector.shape_cast %parallel_loop3A_275 : vector<1x16xf32> to vector<16xf32>
            %parallel_loop3A_277 = arith.index_cast %parallel_loop3A_204 : i32 to index
            %parallel_loop3A_278 = arith.constant 64 : index
            %parallel_loop3A_279 = tpu.vector_load %arg12[%parallel_loop3A_277, %parallel_loop3A_278] {strides = array<i32>} : memref<64x128xf32, #tpu.memory_space<vmem>>, vector<1x16xf32>,
            %parallel_loop3A_280 = vector.shape_cast %parallel_loop3A_279 : vector<1x16xf32> to vector<16xf32>
            %parallel_loop3A_281 = arith.addf %parallel_loop3A_276, %parallel_loop3A_280 : vector<16xf32>
            %parallel_loop3A_282 = arith.constant 0.000000e+00 : f32
            %parallel_loop3A_283 = vector.broadcast %parallel_loop3A_282 : f32 to vector<16xf32>
            %parallel_loop3A_284 = arith.maximumf %parallel_loop3A_281, %parallel_loop3A_283 : vector<16xf32>
            %parallel_loop3A_285 = arith.index_cast %parallel_loop3A_204 : i32 to index
            %parallel_loop3A_286 = arith.constant 64 : index
            %parallel_loop3A_287 = tpu.vector_load %arg10[%parallel_loop3A_285, %parallel_loop3A_286] {strides = array<i32>} : memref<64x128xf32, #tpu.memory_space<vmem>>, vector<1x16xf32>,
            %parallel_loop3A_288 = vector.shape_cast %parallel_loop3A_287 : vector<1x16xf32> to vector<16xf32>
            %parallel_loop3A_289 = vector.shape_cast %parallel_loop3A_284 : vector<16xf32> to vector<1x16xf32>
            tpu.vector_store %arg10[%parallel_loop3A_285, %parallel_loop3A_286], %parallel_loop3A_289 {strides = array<i32>} : memref<64x128xf32, #tpu.memory_space<vmem>>, vector<1x16xf32>,
            %parallel_loop3A_290 = arith.index_cast %parallel_loop3A_204 : i32 to index
            %parallel_loop3A_291 = arith.constant 80 : index
            %parallel_loop3A_292 = tpu.vector_load %arg10[%parallel_loop3A_290, %parallel_loop3A_291] {strides = array<i32>} : memref<64x128xf32, #tpu.memory_space<vmem>>, vector<1x16xf32>,
            %parallel_loop3A_293 = vector.shape_cast %parallel_loop3A_292 : vector<1x16xf32> to vector<16xf32>
            %parallel_loop3A_294 = arith.index_cast %parallel_loop3A_204 : i32 to index
            %parallel_loop3A_295 = arith.constant 80 : index
            %parallel_loop3A_296 = tpu.vector_load %arg12[%parallel_loop3A_294, %parallel_loop3A_295] {strides = array<i32>} : memref<64x128xf32, #tpu.memory_space<vmem>>, vector<1x16xf32>,
            %parallel_loop3A_297 = vector.shape_cast %parallel_loop3A_296 : vector<1x16xf32> to vector<16xf32>
            %parallel_loop3A_298 = arith.addf %parallel_loop3A_293, %parallel_loop3A_297 : vector<16xf32>
            %parallel_loop3A_299 = arith.constant 0.000000e+00 : f32
            %parallel_loop3A_300 = vector.broadcast %parallel_loop3A_299 : f32 to vector<16xf32>
            %parallel_loop3A_301 = arith.maximumf %parallel_loop3A_298, %parallel_loop3A_300 : vector<16xf32>
            %parallel_loop3A_302 = arith.index_cast %parallel_loop3A_204 : i32 to index
            %parallel_loop3A_303 = arith.constant 80 : index
            %parallel_loop3A_304 = tpu.vector_load %arg10[%parallel_loop3A_302, %parallel_loop3A_303] {strides = array<i32>} : memref<64x128xf32, #tpu.memory_space<vmem>>, vector<1x16xf32>,
            %parallel_loop3A_305 = vector.shape_cast %parallel_loop3A_304 : vector<1x16xf32> to vector<16xf32>
            %parallel_loop3A_306 = vector.shape_cast %parallel_loop3A_301 : vector<16xf32> to vector<1x16xf32>
            tpu.vector_store %arg10[%parallel_loop3A_302, %parallel_loop3A_303], %parallel_loop3A_306 {strides = array<i32>} : memref<64x128xf32, #tpu.memory_space<vmem>>, vector<1x16xf32>,
            %parallel_loop3A_307 = arith.index_cast %parallel_loop3A_204 : i32 to index
            %parallel_loop3A_308 = arith.constant 96 : index
            %parallel_loop3A_309 = tpu.vector_load %arg10[%parallel_loop3A_307, %parallel_loop3A_308] {strides = array<i32>} : memref<64x128xf32, #tpu.memory_space<vmem>>, vector<1x16xf32>,
            %parallel_loop3A_310 = vector.shape_cast %parallel_loop3A_309 : vector<1x16xf32> to vector<16xf32>
            %parallel_loop3A_311 = arith.index_cast %parallel_loop3A_204 : i32 to index
            %parallel_loop3A_312 = arith.constant 96 : index
            %parallel_loop3A_313 = tpu.vector_load %arg12[%parallel_loop3A_311, %parallel_loop3A_312] {strides = array<i32>} : memref<64x128xf32, #tpu.memory_space<vmem>>, vector<1x16xf32>,
            %parallel_loop3A_314 = vector.shape_cast %parallel_loop3A_313 : vector<1x16xf32> to vector<16xf32>
            %parallel_loop3A_315 = arith.addf %parallel_loop3A_310, %parallel_loop3A_314 : vector<16xf32>
            %parallel_loop3A_316 = arith.constant 0.000000e+00 : f32
            %parallel_loop3A_317 = vector.broadcast %parallel_loop3A_316 : f32 to vector<16xf32>
            %parallel_loop3A_318 = arith.maximumf %parallel_loop3A_315, %parallel_loop3A_317 : vector<16xf32>
            %parallel_loop3A_319 = arith.index_cast %parallel_loop3A_204 : i32 to index
            %parallel_loop3A_320 = arith.constant 96 : index
            %parallel_loop3A_321 = tpu.vector_load %arg10[%parallel_loop3A_319, %parallel_loop3A_320] {strides = array<i32>} : memref<64x128xf32, #tpu.memory_space<vmem>>, vector<1x16xf32>,
            %parallel_loop3A_322 = vector.shape_cast %parallel_loop3A_321 : vector<1x16xf32> to vector<16xf32>
            %parallel_loop3A_323 = vector.shape_cast %parallel_loop3A_318 : vector<16xf32> to vector<1x16xf32>
            tpu.vector_store %arg10[%parallel_loop3A_319, %parallel_loop3A_320], %parallel_loop3A_323 {strides = array<i32>} : memref<64x128xf32, #tpu.memory_space<vmem>>, vector<1x16xf32>,
            %parallel_loop3A_324 = arith.index_cast %parallel_loop3A_204 : i32 to index
            %parallel_loop3A_325 = arith.constant 112 : index
            %parallel_loop3A_326 = tpu.vector_load %arg10[%parallel_loop3A_324, %parallel_loop3A_325] {strides = array<i32>} : memref<64x128xf32, #tpu.memory_space<vmem>>, vector<1x16xf32>,
            %parallel_loop3A_327 = vector.shape_cast %parallel_loop3A_326 : vector<1x16xf32> to vector<16xf32>
            %parallel_loop3A_328 = arith.index_cast %parallel_loop3A_204 : i32 to index
            %parallel_loop3A_329 = arith.constant 112 : index
            %parallel_loop3A_330 = tpu.vector_load %arg12[%parallel_loop3A_328, %parallel_loop3A_329] {strides = array<i32>} : memref<64x128xf32, #tpu.memory_space<vmem>>, vector<1x16xf32>,
            %parallel_loop3A_331 = vector.shape_cast %parallel_loop3A_330 : vector<1x16xf32> to vector<16xf32>
            %parallel_loop3A_332 = arith.addf %parallel_loop3A_327, %parallel_loop3A_331 : vector<16xf32>
            %parallel_loop3A_333 = arith.constant 0.000000e+00 : f32
            %parallel_loop3A_334 = vector.broadcast %parallel_loop3A_333 : f32 to vector<16xf32>
            %parallel_loop3A_335 = arith.maximumf %parallel_loop3A_332, %parallel_loop3A_334 : vector<16xf32>
            %parallel_loop3A_336 = arith.index_cast %parallel_loop3A_204 : i32 to index
            %parallel_loop3A_337 = arith.constant 112 : index
            %parallel_loop3A_338 = tpu.vector_load %arg10[%parallel_loop3A_336, %parallel_loop3A_337] {strides = array<i32>} : memref<64x128xf32, #tpu.memory_space<vmem>>, vector<1x16xf32>,
            %parallel_loop3A_339 = vector.shape_cast %parallel_loop3A_338 : vector<1x16xf32> to vector<16xf32>
            %parallel_loop3A_340 = vector.shape_cast %parallel_loop3A_335 : vector<16xf32> to vector<1x16xf32>
            tpu.vector_store %arg10[%parallel_loop3A_336, %parallel_loop3A_337], %parallel_loop3A_340 {strides = array<i32>} : memref<64x128xf32, #tpu.memory_space<vmem>>, vector<1x16xf32>,
          } {sc.loop_unroll_factor = 4 : i64, sc.parallel_access}
          %div3A_185 = arith.constant 8 : i32
          %div3A_186 = arith.divsi %sub3A_169, %div3A_185 : i32
          %rem3A_187 = arith.constant 2 : i32
          %rem3A_188 = arith.remsi %div3A_186, %rem3A_187 : i32
          %rem3A_189 = arith.constant 8 : i32
          %rem3A_190 = arith.remsi %sub3A_169, %rem3A_189 : i32
          %dma_start3A_191 = arith.constant 2 : i32
          %dma_start3A_192 = arith.constant 0 : i32
          %dma_start3A_193 = tpu.memref_slice %arg9[%rem3A_188, %rem3A_190, %dma_start3A_191, %dma_start3A_192] : memref<2x8x3x64xi32, #tpu.memory_space<vmem>> -> memref<1x1x1x64xi32, #tpu.memory_space<vmem>>
          %dma_start3A_194 = tpu.memref_squeeze %dma_start3A_193 : memref<1x1x1x64xi32, #tpu.memory_space<vmem>> -> memref<64xi32, #tpu.memory_space<vmem>>
          %dma_start3A_195 = arith.constant 0 : i32
          %dma_start3A_196 = arith.constant 0 : i32
          %dma_start3A_197 = tpu.memref_slice %arg15[%dma_start3A_195, %dma_start3A_196] : memref<10112x128xf32, #tpu.memory_space<vmem_shared>> -> memref<10112x128xf32, #tpu.memory_space<vmem_shared>>
          tpu.enqueue_indirect_dma source(%arg10 : memref<64x128xf32, #tpu.memory_space<vmem>>) target(%dma_start3A_197 : memref<10112x128xf32, #tpu.memory_space<vmem_shared>>) offsets(%dma_start3A_194 : memref<64xi32, #tpu.memory_space<vmem>>) semaphore(%arg22 : memref<!tpu.dma_semaphore, #tpu.memory_space<semaphore_mem>>) {add = true}
          %dma_start3A_198 = arith.constant 2 : i32
          %dma_start3A_199 = arith.constant 0 : i32
          %dma_start3A_200 = tpu.memref_slice %arg9[%rem3A_188, %rem3A_190, %dma_start3A_198, %dma_start3A_199] : memref<2x8x3x64xi32, #tpu.memory_space<vmem>> -> memref<1x1x1x64xi32, #tpu.memory_space<vmem>>
          %dma_start3A_201 = tpu.memref_squeeze %dma_start3A_200 : memref<1x1x1x64xi32, #tpu.memory_space<vmem>> -> memref<64xi32, #tpu.memory_space<vmem>>
          %dma_start3A_202 = arith.constant 0 : i32
          %dma_start3A_203 = tpu.memref_slice %arg16[%dma_start3A_202] : memref<10112xf32, #tpu.memory_space<vmem_shared>> -> memref<10112xf32, #tpu.memory_space<vmem_shared>>
          tpu.enqueue_indirect_dma source(%arg14 : memref<64xf32, #tpu.memory_space<vmem>>) target(%dma_start3A_203 : memref<10112xf32, #tpu.memory_space<vmem_shared>>) offsets(%dma_start3A_201 : memref<64xi32, #tpu.memory_space<vmem>>) semaphore(%arg22 : memref<!tpu.dma_semaphore, #tpu.memory_space<semaphore_mem>>) {add = true}
        } else {
        }
      }
      %scan3A_99 = arith.constant 4 : i32
    }
    %scan3A_22 = arith.constant 20 : i32
    %dma_wait3A = arith.constant 0 : i32
    %dma_wait3A_23 = arith.constant 0 : i32
    %dma_wait3A_24 = tpu.memref_slice %arg5[%dma_wait3A, %dma_wait3A_23] : memref<10112x128xf32, #tpu.memory_space<hbm>> -> memref<64x128xf32, #tpu.memory_space<hbm>>
    %dma_wait3A_25 = arith.constant 0 : i32
    %dma_wait3A_26 = arith.constant 0 : i32
    %dma_wait3A_27 = tpu.memref_slice %arg5[%dma_wait3A_25, %dma_wait3A_26] : memref<10112x128xf32, #tpu.memory_space<hbm>> -> memref<64x128xf32, #tpu.memory_space<hbm>>
    tpu.wait_dma2 semaphore(%arg19 : memref<!tpu.dma_semaphore, #tpu.memory_space<semaphore_mem>>) src(%dma_wait3A_27 : memref<64x128xf32, #tpu.memory_space<hbm>>) dst(%arg11 : memref<64x128xf32, #tpu.memory_space<vmem>>)
    %dma_wait3A_28 = arith.constant 0 : i32
    %dma_wait3A_29 = arith.constant 0 : i32
    %dma_wait3A_30 = tpu.memref_slice %arg5[%dma_wait3A_28, %dma_wait3A_29] : memref<10112x128xf32, #tpu.memory_space<hbm>> -> memref<64x128xf32, #tpu.memory_space<hbm>>
    %dma_wait3A_31 = arith.constant 0 : i32
    %dma_wait3A_32 = arith.constant 0 : i32
    %dma_wait3A_33 = tpu.memref_slice %arg5[%dma_wait3A_31, %dma_wait3A_32] : memref<10112x128xf32, #tpu.memory_space<hbm>> -> memref<64x128xf32, #tpu.memory_space<hbm>>
    tpu.wait_dma2 semaphore(%arg21 : memref<!tpu.dma_semaphore, #tpu.memory_space<semaphore_mem>>) src(%dma_wait3A_33 : memref<64x128xf32, #tpu.memory_space<hbm>>) dst(%arg13 : memref<64x128xf32, #tpu.memory_space<vmem>>)
    %parallel_loop3A = arith.constant 0 : i32
    %parallel_loop3A_34 = arith.constant 64 : i32
    %parallel_loop3A_35 = arith.constant 1 : i32
    scf.for %parallel_loop3A_85 = %parallel_loop3A to %parallel_loop3A_34 step %parallel_loop3A_35  : i32 {
      %parallel_loop3A_86 = arith.index_cast %parallel_loop3A_85 : i32 to index
      %parallel_loop3A_87 = arith.constant 0 : index
      %parallel_loop3A_88 = tpu.vector_load %arg11[%parallel_loop3A_86, %parallel_loop3A_87] {strides = array<i32>} : memref<64x128xf32, #tpu.memory_space<vmem>>, vector<1x16xf32>,
      %parallel_loop3A_89 = vector.shape_cast %parallel_loop3A_88 : vector<1x16xf32> to vector<16xf32>
      %parallel_loop3A_90 = arith.index_cast %parallel_loop3A_85 : i32 to index
      %parallel_loop3A_91 = arith.constant 0 : index
      %parallel_loop3A_92 = tpu.vector_load %arg13[%parallel_loop3A_90, %parallel_loop3A_91] {strides = array<i32>} : memref<64x128xf32, #tpu.memory_space<vmem>>, vector<1x16xf32>,
      %parallel_loop3A_93 = vector.shape_cast %parallel_loop3A_92 : vector<1x16xf32> to vector<16xf32>
      %parallel_loop3A_94 = arith.addf %parallel_loop3A_89, %parallel_loop3A_93 : vector<16xf32>
      %parallel_loop3A_95 = arith.constant 0.000000e+00 : f32
      %parallel_loop3A_96 = vector.broadcast %parallel_loop3A_95 : f32 to vector<16xf32>
      %parallel_loop3A_97 = arith.maximumf %parallel_loop3A_94, %parallel_loop3A_96 : vector<16xf32>
      %parallel_loop3A_98 = arith.index_cast %parallel_loop3A_85 : i32 to index
      %parallel_loop3A_99 = arith.constant 0 : index
      %parallel_loop3A_100 = tpu.vector_load %arg11[%parallel_loop3A_98, %parallel_loop3A_99] {strides = array<i32>} : memref<64x128xf32, #tpu.memory_space<vmem>>, vector<1x16xf32>,
      %parallel_loop3A_101 = vector.shape_cast %parallel_loop3A_100 : vector<1x16xf32> to vector<16xf32>
      %parallel_loop3A_102 = vector.shape_cast %parallel_loop3A_97 : vector<16xf32> to vector<1x16xf32>
      tpu.vector_store %arg11[%parallel_loop3A_98, %parallel_loop3A_99], %parallel_loop3A_102 {strides = array<i32>} : memref<64x128xf32, #tpu.memory_space<vmem>>, vector<1x16xf32>,
      %parallel_loop3A_103 = arith.index_cast %parallel_loop3A_85 : i32 to index
      %parallel_loop3A_104 = arith.constant 16 : index
      %parallel_loop3A_105 = tpu.vector_load %arg11[%parallel_loop3A_103, %parallel_loop3A_104] {strides = array<i32>} : memref<64x128xf32, #tpu.memory_space<vmem>>, vector<1x16xf32>,
      %parallel_loop3A_106 = vector.shape_cast %parallel_loop3A_105 : vector<1x16xf32> to vector<16xf32>
      %parallel_loop3A_107 = arith.index_cast %parallel_loop3A_85 : i32 to index
      %parallel_loop3A_108 = arith.constant 16 : index
      %parallel_loop3A_109 = tpu.vector_load %arg13[%parallel_loop3A_107, %parallel_loop3A_108] {strides = array<i32>} : memref<64x128xf32, #tpu.memory_space<vmem>>, vector<1x16xf32>,
      %parallel_loop3A_110 = vector.shape_cast %parallel_loop3A_109 : vector<1x16xf32> to vector<16xf32>
      %parallel_loop3A_111 = arith.addf %parallel_loop3A_106, %parallel_loop3A_110 : vector<16xf32>
      %parallel_loop3A_112 = arith.constant 0.000000e+00 : f32
      %parallel_loop3A_113 = vector.broadcast %parallel_loop3A_112 : f32 to vector<16xf32>
      %parallel_loop3A_114 = arith.maximumf %parallel_loop3A_111, %parallel_loop3A_113 : vector<16xf32>
      %parallel_loop3A_115 = arith.index_cast %parallel_loop3A_85 : i32 to index
      %parallel_loop3A_116 = arith.constant 16 : index
      %parallel_loop3A_117 = tpu.vector_load %arg11[%parallel_loop3A_115, %parallel_loop3A_116] {strides = array<i32>} : memref<64x128xf32, #tpu.memory_space<vmem>>, vector<1x16xf32>,
      %parallel_loop3A_118 = vector.shape_cast %parallel_loop3A_117 : vector<1x16xf32> to vector<16xf32>
      %parallel_loop3A_119 = vector.shape_cast %parallel_loop3A_114 : vector<16xf32> to vector<1x16xf32>
      tpu.vector_store %arg11[%parallel_loop3A_115, %parallel_loop3A_116], %parallel_loop3A_119 {strides = array<i32>} : memref<64x128xf32, #tpu.memory_space<vmem>>, vector<1x16xf32>,
      %parallel_loop3A_120 = arith.index_cast %parallel_loop3A_85 : i32 to index
      %parallel_loop3A_121 = arith.constant 32 : index
      %parallel_loop3A_122 = tpu.vector_load %arg11[%parallel_loop3A_120, %parallel_loop3A_121] {strides = array<i32>} : memref<64x128xf32, #tpu.memory_space<vmem>>, vector<1x16xf32>,
      %parallel_loop3A_123 = vector.shape_cast %parallel_loop3A_122 : vector<1x16xf32> to vector<16xf32>
      %parallel_loop3A_124 = arith.index_cast %parallel_loop3A_85 : i32 to index
      %parallel_loop3A_125 = arith.constant 32 : index
      %parallel_loop3A_126 = tpu.vector_load %arg13[%parallel_loop3A_124, %parallel_loop3A_125] {strides = array<i32>} : memref<64x128xf32, #tpu.memory_space<vmem>>, vector<1x16xf32>,
      %parallel_loop3A_127 = vector.shape_cast %parallel_loop3A_126 : vector<1x16xf32> to vector<16xf32>
      %parallel_loop3A_128 = arith.addf %parallel_loop3A_123, %parallel_loop3A_127 : vector<16xf32>
      %parallel_loop3A_129 = arith.constant 0.000000e+00 : f32
      %parallel_loop3A_130 = vector.broadcast %parallel_loop3A_129 : f32 to vector<16xf32>
      %parallel_loop3A_131 = arith.maximumf %parallel_loop3A_128, %parallel_loop3A_130 : vector<16xf32>
      %parallel_loop3A_132 = arith.index_cast %parallel_loop3A_85 : i32 to index
      %parallel_loop3A_133 = arith.constant 32 : index
      %parallel_loop3A_134 = tpu.vector_load %arg11[%parallel_loop3A_132, %parallel_loop3A_133] {strides = array<i32>} : memref<64x128xf32, #tpu.memory_space<vmem>>, vector<1x16xf32>,
      %parallel_loop3A_135 = vector.shape_cast %parallel_loop3A_134 : vector<1x16xf32> to vector<16xf32>
      %parallel_loop3A_136 = vector.shape_cast %parallel_loop3A_131 : vector<16xf32> to vector<1x16xf32>
      tpu.vector_store %arg11[%parallel_loop3A_132, %parallel_loop3A_133], %parallel_loop3A_136 {strides = array<i32>} : memref<64x128xf32, #tpu.memory_space<vmem>>, vector<1x16xf32>,
      %parallel_loop3A_137 = arith.index_cast %parallel_loop3A_85 : i32 to index
      %parallel_loop3A_138 = arith.constant 48 : index
      %parallel_loop3A_139 = tpu.vector_load %arg11[%parallel_loop3A_137, %parallel_loop3A_138] {strides = array<i32>} : memref<64x128xf32, #tpu.memory_space<vmem>>, vector<1x16xf32>,
      %parallel_loop3A_140 = vector.shape_cast %parallel_loop3A_139 : vector<1x16xf32> to vector<16xf32>
      %parallel_loop3A_141 = arith.index_cast %parallel_loop3A_85 : i32 to index
      %parallel_loop3A_142 = arith.constant 48 : index
      %parallel_loop3A_143 = tpu.vector_load %arg13[%parallel_loop3A_141, %parallel_loop3A_142] {strides = array<i32>} : memref<64x128xf32, #tpu.memory_space<vmem>>, vector<1x16xf32>,
      %parallel_loop3A_144 = vector.shape_cast %parallel_loop3A_143 : vector<1x16xf32> to vector<16xf32>
      %parallel_loop3A_145 = arith.addf %parallel_loop3A_140, %parallel_loop3A_144 : vector<16xf32>
      %parallel_loop3A_146 = arith.constant 0.000000e+00 : f32
      %parallel_loop3A_147 = vector.broadcast %parallel_loop3A_146 : f32 to vector<16xf32>
      %parallel_loop3A_148 = arith.maximumf %parallel_loop3A_145, %parallel_loop3A_147 : vector<16xf32>
      %parallel_loop3A_149 = arith.index_cast %parallel_loop3A_85 : i32 to index
      %parallel_loop3A_150 = arith.constant 48 : index
      %parallel_loop3A_151 = tpu.vector_load %arg11[%parallel_loop3A_149, %parallel_loop3A_150] {strides = array<i32>} : memref<64x128xf32, #tpu.memory_space<vmem>>, vector<1x16xf32>,
      %parallel_loop3A_152 = vector.shape_cast %parallel_loop3A_151 : vector<1x16xf32> to vector<16xf32>
      %parallel_loop3A_153 = vector.shape_cast %parallel_loop3A_148 : vector<16xf32> to vector<1x16xf32>
      tpu.vector_store %arg11[%parallel_loop3A_149, %parallel_loop3A_150], %parallel_loop3A_153 {strides = array<i32>} : memref<64x128xf32, #tpu.memory_space<vmem>>, vector<1x16xf32>,
      %parallel_loop3A_154 = arith.index_cast %parallel_loop3A_85 : i32 to index
      %parallel_loop3A_155 = arith.constant 64 : index
      %parallel_loop3A_156 = tpu.vector_load %arg11[%parallel_loop3A_154, %parallel_loop3A_155] {strides = array<i32>} : memref<64x128xf32, #tpu.memory_space<vmem>>, vector<1x16xf32>,
      %parallel_loop3A_157 = vector.shape_cast %parallel_loop3A_156 : vector<1x16xf32> to vector<16xf32>
      %parallel_loop3A_158 = arith.index_cast %parallel_loop3A_85 : i32 to index
      %parallel_loop3A_159 = arith.constant 64 : index
      %parallel_loop3A_160 = tpu.vector_load %arg13[%parallel_loop3A_158, %parallel_loop3A_159] {strides = array<i32>} : memref<64x128xf32, #tpu.memory_space<vmem>>, vector<1x16xf32>,
      %parallel_loop3A_161 = vector.shape_cast %parallel_loop3A_160 : vector<1x16xf32> to vector<16xf32>
      %parallel_loop3A_162 = arith.addf %parallel_loop3A_157, %parallel_loop3A_161 : vector<16xf32>
      %parallel_loop3A_163 = arith.constant 0.000000e+00 : f32
      %parallel_loop3A_164 = vector.broadcast %parallel_loop3A_163 : f32 to vector<16xf32>
      %parallel_loop3A_165 = arith.maximumf %parallel_loop3A_162, %parallel_loop3A_164 : vector<16xf32>
      %parallel_loop3A_166 = arith.index_cast %parallel_loop3A_85 : i32 to index
      %parallel_loop3A_167 = arith.constant 64 : index
      %parallel_loop3A_168 = tpu.vector_load %arg11[%parallel_loop3A_166, %parallel_loop3A_167] {strides = array<i32>} : memref<64x128xf32, #tpu.memory_space<vmem>>, vector<1x16xf32>,
      %parallel_loop3A_169 = vector.shape_cast %parallel_loop3A_168 : vector<1x16xf32> to vector<16xf32>
      %parallel_loop3A_170 = vector.shape_cast %parallel_loop3A_165 : vector<16xf32> to vector<1x16xf32>
      tpu.vector_store %arg11[%parallel_loop3A_166, %parallel_loop3A_167], %parallel_loop3A_170 {strides = array<i32>} : memref<64x128xf32, #tpu.memory_space<vmem>>, vector<1x16xf32>,
      %parallel_loop3A_171 = arith.index_cast %parallel_loop3A_85 : i32 to index
      %parallel_loop3A_172 = arith.constant 80 : index
      %parallel_loop3A_173 = tpu.vector_load %arg11[%parallel_loop3A_171, %parallel_loop3A_172] {strides = array<i32>} : memref<64x128xf32, #tpu.memory_space<vmem>>, vector<1x16xf32>,
      %parallel_loop3A_174 = vector.shape_cast %parallel_loop3A_173 : vector<1x16xf32> to vector<16xf32>
      %parallel_loop3A_175 = arith.index_cast %parallel_loop3A_85 : i32 to index
      %parallel_loop3A_176 = arith.constant 80 : index
      %parallel_loop3A_177 = tpu.vector_load %arg13[%parallel_loop3A_175, %parallel_loop3A_176] {strides = array<i32>} : memref<64x128xf32, #tpu.memory_space<vmem>>, vector<1x16xf32>,
      %parallel_loop3A_178 = vector.shape_cast %parallel_loop3A_177 : vector<1x16xf32> to vector<16xf32>
      %parallel_loop3A_179 = arith.addf %parallel_loop3A_174, %parallel_loop3A_178 : vector<16xf32>
      %parallel_loop3A_180 = arith.constant 0.000000e+00 : f32
      %parallel_loop3A_181 = vector.broadcast %parallel_loop3A_180 : f32 to vector<16xf32>
      %parallel_loop3A_182 = arith.maximumf %parallel_loop3A_179, %parallel_loop3A_181 : vector<16xf32>
      %parallel_loop3A_183 = arith.index_cast %parallel_loop3A_85 : i32 to index
      %parallel_loop3A_184 = arith.constant 80 : index
      %parallel_loop3A_185 = tpu.vector_load %arg11[%parallel_loop3A_183, %parallel_loop3A_184] {strides = array<i32>} : memref<64x128xf32, #tpu.memory_space<vmem>>, vector<1x16xf32>,
      %parallel_loop3A_186 = vector.shape_cast %parallel_loop3A_185 : vector<1x16xf32> to vector<16xf32>
      %parallel_loop3A_187 = vector.shape_cast %parallel_loop3A_182 : vector<16xf32> to vector<1x16xf32>
      tpu.vector_store %arg11[%parallel_loop3A_183, %parallel_loop3A_184], %parallel_loop3A_187 {strides = array<i32>} : memref<64x128xf32, #tpu.memory_space<vmem>>, vector<1x16xf32>,
      %parallel_loop3A_188 = arith.index_cast %parallel_loop3A_85 : i32 to index
      %parallel_loop3A_189 = arith.constant 96 : index
      %parallel_loop3A_190 = tpu.vector_load %arg11[%parallel_loop3A_188, %parallel_loop3A_189] {strides = array<i32>} : memref<64x128xf32, #tpu.memory_space<vmem>>, vector<1x16xf32>,
      %parallel_loop3A_191 = vector.shape_cast %parallel_loop3A_190 : vector<1x16xf32> to vector<16xf32>
      %parallel_loop3A_192 = arith.index_cast %parallel_loop3A_85 : i32 to index
      %parallel_loop3A_193 = arith.constant 96 : index
      %parallel_loop3A_194 = tpu.vector_load %arg13[%parallel_loop3A_192, %parallel_loop3A_193] {strides = array<i32>} : memref<64x128xf32, #tpu.memory_space<vmem>>, vector<1x16xf32>,
      %parallel_loop3A_195 = vector.shape_cast %parallel_loop3A_194 : vector<1x16xf32> to vector<16xf32>
      %parallel_loop3A_196 = arith.addf %parallel_loop3A_191, %parallel_loop3A_195 : vector<16xf32>
      %parallel_loop3A_197 = arith.constant 0.000000e+00 : f32
      %parallel_loop3A_198 = vector.broadcast %parallel_loop3A_197 : f32 to vector<16xf32>
      %parallel_loop3A_199 = arith.maximumf %parallel_loop3A_196, %parallel_loop3A_198 : vector<16xf32>
      %parallel_loop3A_200 = arith.index_cast %parallel_loop3A_85 : i32 to index
      %parallel_loop3A_201 = arith.constant 96 : index
      %parallel_loop3A_202 = tpu.vector_load %arg11[%parallel_loop3A_200, %parallel_loop3A_201] {strides = array<i32>} : memref<64x128xf32, #tpu.memory_space<vmem>>, vector<1x16xf32>,
      %parallel_loop3A_203 = vector.shape_cast %parallel_loop3A_202 : vector<1x16xf32> to vector<16xf32>
      %parallel_loop3A_204 = vector.shape_cast %parallel_loop3A_199 : vector<16xf32> to vector<1x16xf32>
      tpu.vector_store %arg11[%parallel_loop3A_200, %parallel_loop3A_201], %parallel_loop3A_204 {strides = array<i32>} : memref<64x128xf32, #tpu.memory_space<vmem>>, vector<1x16xf32>,
      %parallel_loop3A_205 = arith.index_cast %parallel_loop3A_85 : i32 to index
      %parallel_loop3A_206 = arith.constant 112 : index
      %parallel_loop3A_207 = tpu.vector_load %arg11[%parallel_loop3A_205, %parallel_loop3A_206] {strides = array<i32>} : memref<64x128xf32, #tpu.memory_space<vmem>>, vector<1x16xf32>,
      %parallel_loop3A_208 = vector.shape_cast %parallel_loop3A_207 : vector<1x16xf32> to vector<16xf32>
      %parallel_loop3A_209 = arith.index_cast %parallel_loop3A_85 : i32 to index
      %parallel_loop3A_210 = arith.constant 112 : index
      %parallel_loop3A_211 = tpu.vector_load %arg13[%parallel_loop3A_209, %parallel_loop3A_210] {strides = array<i32>} : memref<64x128xf32, #tpu.memory_space<vmem>>, vector<1x16xf32>,
      %parallel_loop3A_212 = vector.shape_cast %parallel_loop3A_211 : vector<1x16xf32> to vector<16xf32>
      %parallel_loop3A_213 = arith.addf %parallel_loop3A_208, %parallel_loop3A_212 : vector<16xf32>
      %parallel_loop3A_214 = arith.constant 0.000000e+00 : f32
      %parallel_loop3A_215 = vector.broadcast %parallel_loop3A_214 : f32 to vector<16xf32>
      %parallel_loop3A_216 = arith.maximumf %parallel_loop3A_213, %parallel_loop3A_215 : vector<16xf32>
      %parallel_loop3A_217 = arith.index_cast %parallel_loop3A_85 : i32 to index
      %parallel_loop3A_218 = arith.constant 112 : index
      %parallel_loop3A_219 = tpu.vector_load %arg11[%parallel_loop3A_217, %parallel_loop3A_218] {strides = array<i32>} : memref<64x128xf32, #tpu.memory_space<vmem>>, vector<1x16xf32>,
      %parallel_loop3A_220 = vector.shape_cast %parallel_loop3A_219 : vector<1x16xf32> to vector<16xf32>
      %parallel_loop3A_221 = vector.shape_cast %parallel_loop3A_216 : vector<16xf32> to vector<1x16xf32>
      tpu.vector_store %arg11[%parallel_loop3A_217, %parallel_loop3A_218], %parallel_loop3A_221 {strides = array<i32>} : memref<64x128xf32, #tpu.memory_space<vmem>>, vector<1x16xf32>,
    } {sc.loop_unroll_factor = 4 : i64, sc.parallel_access}
    %div3A = arith.constant 159 : i32
    %div3A_36 = arith.constant 8 : i32
    %div3A_37 = arith.divsi %div3A, %div3A_36 : i32
    %rem3A = arith.constant 2 : i32
    %rem3A_38 = arith.remsi %div3A_37, %rem3A : i32
    %rem3A_39 = arith.constant 159 : i32
    %rem3A_40 = arith.constant 8 : i32
    %rem3A_41 = arith.remsi %rem3A_39, %rem3A_40 : i32
    %dma_start3A = arith.constant 2 : i32
    %dma_start3A_42 = arith.constant 0 : i32
    %dma_start3A_43 = tpu.memref_slice %arg9[%rem3A_38, %rem3A_41, %dma_start3A, %dma_start3A_42] : memref<2x8x3x64xi32, #tpu.memory_space<vmem>> -> memref<1x1x1x64xi32, #tpu.memory_space<vmem>>
    %dma_start3A_44 = tpu.memref_squeeze %dma_start3A_43 : memref<1x1x1x64xi32, #tpu.memory_space<vmem>> -> memref<64xi32, #tpu.memory_space<vmem>>
    %dma_start3A_45 = arith.constant 0 : i32
    %dma_start3A_46 = arith.constant 0 : i32
    %dma_start3A_47 = tpu.memref_slice %arg15[%dma_start3A_45, %dma_start3A_46] : memref<10112x128xf32, #tpu.memory_space<vmem_shared>> -> memref<10112x128xf32, #tpu.memory_space<vmem_shared>>
    tpu.enqueue_indirect_dma source(%arg11 : memref<64x128xf32, #tpu.memory_space<vmem>>) target(%dma_start3A_47 : memref<10112x128xf32, #tpu.memory_space<vmem_shared>>) offsets(%dma_start3A_44 : memref<64xi32, #tpu.memory_space<vmem>>) semaphore(%arg23 : memref<!tpu.dma_semaphore, #tpu.memory_space<semaphore_mem>>) {add = true}
    %dma_start3A_48 = arith.constant 2 : i32
    %dma_start3A_49 = arith.constant 0 : i32
    %dma_start3A_50 = tpu.memref_slice %arg9[%rem3A_38, %rem3A_41, %dma_start3A_48, %dma_start3A_49] : memref<2x8x3x64xi32, #tpu.memory_space<vmem>> -> memref<1x1x1x64xi32, #tpu.memory_space<vmem>>
    %dma_start3A_51 = tpu.memref_squeeze %dma_start3A_50 : memref<1x1x1x64xi32, #tpu.memory_space<vmem>> -> memref<64xi32, #tpu.memory_space<vmem>>
    %dma_start3A_52 = arith.constant 0 : i32
    %dma_start3A_53 = tpu.memref_slice %arg16[%dma_start3A_52] : memref<10112xf32, #tpu.memory_space<vmem_shared>> -> memref<10112xf32, #tpu.memory_space<vmem_shared>>
    tpu.enqueue_indirect_dma source(%arg14 : memref<64xf32, #tpu.memory_space<vmem>>) target(%dma_start3A_53 : memref<10112xf32, #tpu.memory_space<vmem_shared>>) offsets(%dma_start3A_51 : memref<64xi32, #tpu.memory_space<vmem>>) semaphore(%arg23 : memref<!tpu.dma_semaphore, #tpu.memory_space<semaphore_mem>>) {add = true}
    %dma_wait3A_54 = arith.constant 0 : i32
    %dma_wait3A_55 = arith.constant 0 : i32
    %dma_wait3A_56 = tpu.memref_slice %arg5[%dma_wait3A_54, %dma_wait3A_55] : memref<10112x128xf32, #tpu.memory_space<hbm>> -> memref<64x128xf32, #tpu.memory_space<hbm>>
    %dma_wait3A_57 = arith.constant 0 : i32
    %dma_wait3A_58 = arith.constant 0 : i32
    %dma_wait3A_59 = tpu.memref_slice %arg5[%dma_wait3A_57, %dma_wait3A_58] : memref<10112x128xf32, #tpu.memory_space<hbm>> -> memref<64x128xf32, #tpu.memory_space<hbm>>
    tpu.wait_dma2 semaphore(%arg22 : memref<!tpu.dma_semaphore, #tpu.memory_space<semaphore_mem>>) src(%dma_wait3A_59 : memref<64x128xf32, #tpu.memory_space<hbm>>) dst(%arg10 : memref<64x128xf32, #tpu.memory_space<vmem>>)
    %dma_wait3A_60 = arith.constant 0 : i32
    %dma_wait3A_61 = tpu.memref_slice %arg6[%dma_wait3A_60] : memref<10112xf32, #tpu.memory_space<hbm>> -> memref<64xf32, #tpu.memory_space<hbm>>
    %dma_wait3A_62 = arith.constant 0 : i32
    %dma_wait3A_63 = tpu.memref_slice %arg6[%dma_wait3A_62] : memref<10112xf32, #tpu.memory_space<hbm>> -> memref<64xf32, #tpu.memory_space<hbm>>
    tpu.wait_dma2 semaphore(%arg22 : memref<!tpu.dma_semaphore, #tpu.memory_space<semaphore_mem>>) src(%dma_wait3A_63 : memref<64xf32, #tpu.memory_space<hbm>>) dst(%arg14 : memref<64xf32, #tpu.memory_space<vmem>>)
    %dma_wait3A_64 = arith.constant 0 : i32
    %dma_wait3A_65 = arith.constant 0 : i32
    %dma_wait3A_66 = tpu.memref_slice %arg5[%dma_wait3A_64, %dma_wait3A_65] : memref<10112x128xf32, #tpu.memory_space<hbm>> -> memref<64x128xf32, #tpu.memory_space<hbm>>
    %dma_wait3A_67 = arith.constant 0 : i32
    %dma_wait3A_68 = arith.constant 0 : i32
    %dma_wait3A_69 = tpu.memref_slice %arg5[%dma_wait3A_67, %dma_wait3A_68] : memref<10112x128xf32, #tpu.memory_space<hbm>> -> memref<64x128xf32, #tpu.memory_space<hbm>>
    tpu.wait_dma2 semaphore(%arg23 : memref<!tpu.dma_semaphore, #tpu.memory_space<semaphore_mem>>) src(%dma_wait3A_69 : memref<64x128xf32, #tpu.memory_space<hbm>>) dst(%arg11 : memref<64x128xf32, #tpu.memory_space<vmem>>)
    %dma_wait3A_70 = arith.constant 0 : i32
    %dma_wait3A_71 = tpu.memref_slice %arg6[%dma_wait3A_70] : memref<10112xf32, #tpu.memory_space<hbm>> -> memref<64xf32, #tpu.memory_space<hbm>>
    %dma_wait3A_72 = arith.constant 0 : i32
    %dma_wait3A_73 = tpu.memref_slice %arg6[%dma_wait3A_72] : memref<10112xf32, #tpu.memory_space<hbm>> -> memref<64xf32, #tpu.memory_space<hbm>>
    tpu.wait_dma2 semaphore(%arg23 : memref<!tpu.dma_semaphore, #tpu.memory_space<semaphore_mem>>) src(%dma_wait3A_73 : memref<64xf32, #tpu.memory_space<hbm>>) dst(%arg14 : memref<64xf32, #tpu.memory_space<vmem>>)
    %barrier3A_74 = arith.constant 0 : index
    tpu.barrier barrier_id(%barrier3A_74)
    "tpu.region"() ({
      %run_scoped3A = tpu.sem_alloc : memref<!tpu.dma_semaphore, #tpu.memory_space<semaphore_mem>>
      %dma_start3A_85 = arith.constant 0 : i32
      %dma_start3A_86 = tpu.memref_slice %arg7[%arg0, %mul3A_2, %dma_start3A_85] : memref<2x10112x128xf32, #tpu.memory_space<hbm>> -> memref<1x632x128xf32, #tpu.memory_space<hbm>>
      %dma_start3A_87 = tpu.memref_squeeze %dma_start3A_86 : memref<1x632x128xf32, #tpu.memory_space<hbm>> -> memref<632x128xf32, #tpu.memory_space<hbm>>
      %dma_start3A_88 = arith.constant 0 : i32
      %dma_start3A_89 = tpu.memref_slice %arg15[%mul3A_2, %dma_start3A_88] : memref<10112x128xf32, #tpu.memory_space<vmem_shared>> -> memref<632x128xf32, #tpu.memory_space<vmem_shared>>
      tpu.enqueue_dma source(%dma_start3A_89 : memref<632x128xf32, #tpu.memory_space<vmem_shared>>) target(%dma_start3A_87 : memref<632x128xf32, #tpu.memory_space<hbm>>) target_semaphore(%run_scoped3A : memref<!tpu.dma_semaphore, #tpu.memory_space<semaphore_mem>>)
      %dma_wait3A_90 = arith.constant 0 : i32
      %dma_wait3A_91 = tpu.memref_slice %arg7[%arg0, %mul3A_2, %dma_wait3A_90] : memref<2x10112x128xf32, #tpu.memory_space<hbm>> -> memref<1x632x128xf32, #tpu.memory_space<hbm>>
      %dma_wait3A_92 = tpu.memref_squeeze %dma_wait3A_91 : memref<1x632x128xf32, #tpu.memory_space<hbm>> -> memref<632x128xf32, #tpu.memory_space<hbm>>
      %dma_wait3A_93 = arith.constant 0 : i32
      %dma_wait3A_94 = tpu.memref_slice %arg15[%mul3A_2, %dma_wait3A_93] : memref<10112x128xf32, #tpu.memory_space<vmem_shared>> -> memref<632x128xf32, #tpu.memory_space<vmem_shared>>
      tpu.wait_dma2 semaphore(%run_scoped3A : memref<!tpu.dma_semaphore, #tpu.memory_space<semaphore_mem>>) src(%dma_wait3A_94 : memref<632x128xf32, #tpu.memory_space<vmem_shared>>) dst(%dma_wait3A_92 : memref<632x128xf32, #tpu.memory_space<hbm>>)
      tpu.yield
    }) : () -> ()
    %lt3A_75 = arith.constant 15 : i32
    %lt3A_76 = arith.cmpi slt, %arg1, %lt3A_75 : i32
    %convert_element_type3A_77 = arith.extui %lt3A_76 : i1 to i32
    %cond3A_78 = arith.constant 0 : i32
    %cond3A_79 = arith.cmpi ne, %convert_element_type3A_77, %cond3A_78 : i32
    scf.if %cond3A_79 {
      %mul3A_85 = arith.constant 640 : i32
      %mul3A_86 = arith.muli %arg1, %mul3A_85 : i32
      %mul3A_87 = arith.constant 10112 : i32
      %mul3A_88 = arith.muli %arg0, %mul3A_87 : i32
      %mul3A_89 = arith.constant 640 : i32
      %mul3A_90 = arith.muli %arg1, %mul3A_89 : i32
      %add3A_91 = arith.addi %mul3A_88, %mul3A_90 : i32
      "tpu.region"() ({
        %run_scoped3A = tpu.sem_alloc : memref<!tpu.dma_semaphore, #tpu.memory_space<semaphore_mem>>
        %dma_start3A_92 = tpu.memref_slice %arg8[%add3A_91] : memref<20224xf32, #tpu.memory_space<hbm>> -> memref<640xf32, #tpu.memory_space<hbm>>
        %dma_start3A_93 = tpu.memref_slice %arg16[%mul3A_86] : memref<10112xf32, #tpu.memory_space<vmem_shared>> -> memref<640xf32, #tpu.memory_space<vmem_shared>>
        tpu.enqueue_dma source(%dma_start3A_93 : memref<640xf32, #tpu.memory_space<vmem_shared>>) target(%dma_start3A_92 : memref<640xf32, #tpu.memory_space<hbm>>) target_semaphore(%run_scoped3A : memref<!tpu.dma_semaphore, #tpu.memory_space<semaphore_mem>>)
        %dma_wait3A_94 = tpu.memref_slice %arg8[%add3A_91] : memref<20224xf32, #tpu.memory_space<hbm>> -> memref<640xf32, #tpu.memory_space<hbm>>
        %dma_wait3A_95 = tpu.memref_slice %arg16[%mul3A_86] : memref<10112xf32, #tpu.memory_space<vmem_shared>> -> memref<640xf32, #tpu.memory_space<vmem_shared>>
        tpu.wait_dma2 semaphore(%run_scoped3A : memref<!tpu.dma_semaphore, #tpu.memory_space<semaphore_mem>>) src(%dma_wait3A_95 : memref<640xf32, #tpu.memory_space<vmem_shared>>) dst(%dma_wait3A_94 : memref<640xf32, #tpu.memory_space<hbm>>)
        tpu.yield
      }) : () -> ()
    } else {
    }
    %eq3A_80 = arith.constant 15 : i32
    %eq3A_81 = arith.cmpi eq, %arg1, %eq3A_80 : i32
    %convert_element_type3A_82 = arith.extui %eq3A_81 : i1 to i32
    %cond3A_83 = arith.constant 0 : i32
    %cond3A_84 = arith.cmpi ne, %convert_element_type3A_82, %cond3A_83 : i32
    scf.if %cond3A_84 {
      %mul3A_85 = arith.constant 10112 : i32
      %mul3A_86 = arith.muli %arg0, %mul3A_85 : i32
      %add3A_87 = arith.constant 9600 : i32
      %add3A_88 = arith.addi %mul3A_86, %add3A_87 : i32
      "tpu.region"() ({
        %run_scoped3A = tpu.sem_alloc : memref<!tpu.dma_semaphore, #tpu.memory_space<semaphore_mem>>
        %dma_start3A_89 = tpu.memref_slice %arg8[%add3A_88] : memref<20224xf32, #tpu.memory_space<hbm>> -> memref<512xf32, #tpu.memory_space<hbm>>
        %dma_start3A_90 = arith.constant 9600 : i32
        %dma_start3A_91 = tpu.memref_slice %arg16[%dma_start3A_90] : memref<10112xf32, #tpu.memory_space<vmem_shared>> -> memref<512xf32, #tpu.memory_space<vmem_shared>>
        tpu.enqueue_dma source(%dma_start3A_91 : memref<512xf32, #tpu.memory_space<vmem_shared>>) target(%dma_start3A_89 : memref<512xf32, #tpu.memory_space<hbm>>) target_semaphore(%run_scoped3A : memref<!tpu.dma_semaphore, #tpu.memory_space<semaphore_mem>>)
        %dma_wait3A_92 = tpu.memref_slice %arg8[%add3A_88] : memref<20224xf32, #tpu.memory_space<hbm>> -> memref<512xf32, #tpu.memory_space<hbm>>
        %dma_wait3A_93 = arith.constant 9600 : i32
        %dma_wait3A_94 = tpu.memref_slice %arg16[%dma_wait3A_93] : memref<10112xf32, #tpu.memory_space<vmem_shared>> -> memref<512xf32, #tpu.memory_space<vmem_shared>>
        tpu.wait_dma2 semaphore(%run_scoped3A : memref<!tpu.dma_semaphore, #tpu.memory_space<semaphore_mem>>) src(%dma_wait3A_94 : memref<512xf32, #tpu.memory_space<vmem_shared>>) dst(%dma_wait3A_92 : memref<512xf32, #tpu.memory_space<hbm>>)
        tpu.yield
      }) : () -> ()
    } else {
    }
    return
  }
}

module attributes {stable_mosaic.version = 14 : i64} {
  func.func @_tc_pre(%arg0: memref<10000x128xf32, #tpu.memory_space<vmem>>, %arg1: memref<16x128xf32, #tpu.memory_space<vmem>>, %arg2: memref<64x16xf32, #tpu.memory_space<vmem>>, %arg3: memref<128x128xf32, #tpu.memory_space<vmem>>, %arg4: memref<128x128xf32, #tpu.memory_space<vmem>>, %arg5: memref<128x128xf32, #tpu.memory_space<vmem>>, %arg6: memref<128xf32, #tpu.memory_space<vmem>>, %arg7: memref<10000x128xf32, #tpu.memory_space<vmem>>, %arg8: memref<64x128xf32, #tpu.memory_space<vmem>>) attributes {dimension_semantics = [], scalar_prefetch = 0 : i64, scratch_operands = 0 : i64, tpu.core_type = #tpu.core_type<tc>} {
    %get3A = arith.constant 0 : index
    %get3A_0 = arith.constant 0 : index
    %get3A_1 = vector.load %arg3[%get3A, %get3A_0] : memref<128x128xf32, #tpu.memory_space<vmem>>, vector<128x128xf32>
    %get3A_2 = arith.constant 0 : index
    %get3A_3 = arith.constant 0 : index
    %get3A_4 = vector.load %arg5[%get3A_2, %get3A_3] : memref<128x128xf32, #tpu.memory_space<vmem>>, vector<128x128xf32>
    %dot_general3A = arith.constant dense<0.000000e+00> : vector<128x128xf32>
    %dot_general3A_5 = tpu.matmul %get3A_1, %get3A_4, %dot_general3A {dimension_numbers = #tpu.dot_dimension_numbers<[1], [1], [0], [0], [0, 0, 1, 0], [], []>, transpose_lhs_hint = false} : vector<128x128xf32>, vector<128x128xf32>, vector<128x128xf32> -> vector<128x128xf32>
    %get3A_6 = arith.constant 0 : index
    %get3A_7 = arith.constant 0 : index
    %get3A_8 = vector.load %arg0[%get3A_6, %get3A_7] : memref<10000x128xf32, #tpu.memory_space<vmem>>, vector<10000x128xf32>
    %dot_general3A_9 = arith.constant dense<0.000000e+00> : vector<10000x128xf32>
    %dot_general3A_10 = tpu.matmul %get3A_8, %dot_general3A_5, %dot_general3A_9 {dimension_numbers = #tpu.dot_dimension_numbers<[1], [0], [0], [1], [0, 0, 1, 1], [], []>, transpose_lhs_hint = false} : vector<10000x128xf32>, vector<128x128xf32>, vector<10000x128xf32> -> vector<10000x128xf32>
    %swap3A = arith.constant 0 : index
    %swap3A_11 = arith.constant 0 : index
    %swap3A_12 = vector.load %arg7[%swap3A, %swap3A_11] : memref<10000x128xf32, #tpu.memory_space<vmem>>, vector<10000x128xf32>
    tpu.vector_store %arg7[%swap3A, %swap3A_11], %dot_general3A_10 {strides = array<i32>} : memref<10000x128xf32, #tpu.memory_space<vmem>>, vector<10000x128xf32>,
    %get3A_13 = arith.constant 0 : index
    %get3A_14 = arith.constant 0 : index
    %get3A_15 = vector.load %arg4[%get3A_13, %get3A_14] : memref<128x128xf32, #tpu.memory_space<vmem>>, vector<128x128xf32>
    %get3A_16 = arith.constant 0 : index
    %get3A_17 = arith.constant 0 : index
    %get3A_18 = vector.load %arg5[%get3A_16, %get3A_17] : memref<128x128xf32, #tpu.memory_space<vmem>>, vector<128x128xf32>
    %dot_general3A_19 = arith.constant dense<0.000000e+00> : vector<128x128xf32>
    %dot_general3A_20 = tpu.matmul %get3A_15, %get3A_18, %dot_general3A_19 {dimension_numbers = #tpu.dot_dimension_numbers<[1], [1], [0], [0], [0, 0, 1, 0], [], []>, transpose_lhs_hint = false} : vector<128x128xf32>, vector<128x128xf32>, vector<128x128xf32> -> vector<128x128xf32>
    %get3A_21 = arith.constant 0 : index
    %get3A_22 = arith.constant 0 : index
    %get3A_23 = vector.load %arg1[%get3A_21, %get3A_22] : memref<16x128xf32, #tpu.memory_space<vmem>>, vector<16x128xf32>
    %dot_general3A_24 = arith.constant dense<0.000000e+00> : vector<16x128xf32>
    %dot_general3A_25 = tpu.matmul %get3A_23, %dot_general3A_20, %dot_general3A_24 {dimension_numbers = #tpu.dot_dimension_numbers<[1], [0], [0], [1], [0, 0, 1, 1], [], []>, transpose_lhs_hint = false} : vector<16x128xf32>, vector<128x128xf32>, vector<16x128xf32> -> vector<16x128xf32>
    %get3A_26 = arith.constant 0 : index
    %get3A_27 = arith.constant 0 : index
    %get3A_28 = vector.load %arg2[%get3A_26, %get3A_27] : memref<64x16xf32, #tpu.memory_space<vmem>>, vector<64x16xf32>
    %dot_general3A_29 = arith.constant dense<0.000000e+00> : vector<64x128xf32>
    %dot_general3A_30 = tpu.matmul %get3A_28, %dot_general3A_25, %dot_general3A_29 {dimension_numbers = #tpu.dot_dimension_numbers<[1], [0], [0], [1], [0, 0, 1, 1], [], []>, transpose_lhs_hint = false} : vector<64x16xf32>, vector<16x128xf32>, vector<64x128xf32> -> vector<64x128xf32>
    %get3A_31 = arith.constant 0 : index
    %get3A_32 = vector.load %arg6[%get3A_31] : memref<128xf32, #tpu.memory_space<vmem>>, vector<128xf32>
    %broadcast_in_dim3A = vector.shape_cast %get3A_32 : vector<128xf32> to vector<1x128xf32>
    %add3A = vector.broadcast %broadcast_in_dim3A : vector<1x128xf32> to vector<64x128xf32>
    %add3A_33 = arith.addf %dot_general3A_30, %add3A : vector<64x128xf32>
    %swap3A_34 = arith.constant 0 : index
    %swap3A_35 = arith.constant 0 : index
    %swap3A_36 = vector.load %arg8[%swap3A_34, %swap3A_35] : memref<64x128xf32, #tpu.memory_space<vmem>>, vector<64x128xf32>
    tpu.vector_store %arg8[%swap3A_34, %swap3A_35], %add3A_33 {strides = array<i32>} : memref<64x128xf32, #tpu.memory_space<vmem>>, vector<64x128xf32>,
    return
  }
}

module attributes {stable_mosaic.version = 14 : i64} {
  func.func @_tc_post(%arg0: memref<2x10112x128xf32, #tpu.memory_space<vmem>>, %arg1: memref<20224xf32, #tpu.memory_space<vmem>>, %arg2: memref<128xf32, #tpu.memory_space<vmem>>, %arg3: memref<128xf32, #tpu.memory_space<vmem>>, %arg4: memref<64x128xf32, #tpu.memory_space<vmem>>, %arg5: memref<64xf32, #tpu.memory_space<vmem>>, %arg6: memref<32x64xf32, #tpu.memory_space<vmem>>, %arg7: memref<32xf32, #tpu.memory_space<vmem>>, %arg8: memref<16x32xf32, #tpu.memory_space<vmem>>, %arg9: memref<16xf32, #tpu.memory_space<vmem>>, %arg10: memref<10000x16xf32, #tpu.memory_space<vmem>>) attributes {dimension_semantics = [], scalar_prefetch = 0 : i64, scratch_operands = 0 : i64, tpu.core_type = #tpu.core_type<tc>} {
    %get3A = arith.constant 0 : index
    %get3A_0 = arith.constant 0 : index
    %get3A_1 = arith.constant 0 : index
    %get3A_2 = vector.load %arg0[%get3A, %get3A_0, %get3A_1] : memref<2x10112x128xf32, #tpu.memory_space<vmem>>, vector<1x10000x128xf32>
    %get3A_3 = vector.shape_cast %get3A_2 : vector<1x10000x128xf32> to vector<10000x128xf32>
    %get3A_4 = arith.constant 1 : index
    %get3A_5 = arith.constant 0 : index
    %get3A_6 = arith.constant 0 : index
    %get3A_7 = vector.load %arg0[%get3A_4, %get3A_5, %get3A_6] : memref<2x10112x128xf32, #tpu.memory_space<vmem>>, vector<1x10000x128xf32>
    %get3A_8 = vector.shape_cast %get3A_7 : vector<1x10000x128xf32> to vector<10000x128xf32>
    %add3A = arith.addf %get3A_3, %get3A_8 : vector<10000x128xf32>
    %get3A_9 = arith.constant 0 : index
    %get3A_10 = vector.load %arg1[%get3A_9] : memref<20224xf32, #tpu.memory_space<vmem>>, vector<10000xf32>
    %get3A_11 = arith.constant 10112 : index
    %get3A_12 = vector.load %arg1[%get3A_11] : memref<20224xf32, #tpu.memory_space<vmem>>, vector<10000xf32>
    %add3A_13 = arith.addf %get3A_10, %get3A_12 : vector<10000xf32>
    %max3A = arith.constant 1.000000e+00 : f32
    %max3A_14 = vector.broadcast %max3A : f32 to vector<10000xf32>
    %max3A_15 = arith.maximumf %add3A_13, %max3A_14 : vector<10000xf32>
    %broadcast_in_dim3A = vector.shape_cast %max3A_15 : vector<10000xf32> to vector<10000x1xf32>
    %div3A = vector.broadcast %broadcast_in_dim3A : vector<10000x1xf32> to vector<10000x128xf32>
    %div3A_16 = arith.divf %add3A, %div3A : vector<10000x128xf32>
    %reduce_sum3A = arith.constant dense<0.000000e+00> : vector<128xf32>
    %reduce_sum3A_17 = vector.multi_reduction <add>, %div3A_16, %reduce_sum3A [0] : vector<10000x128xf32> to vector<128xf32>
    %div3A_18 = arith.constant 1.000000e+04 : f32
    %div3A_19 = vector.broadcast %div3A_18 : f32 to vector<128xf32>
    %div3A_20 = arith.divf %reduce_sum3A_17, %div3A_19 : vector<128xf32>
    %broadcast_in_dim3A_21 = vector.shape_cast %div3A_20 : vector<128xf32> to vector<1x128xf32>
    %sub3A = vector.broadcast %broadcast_in_dim3A_21 : vector<1x128xf32> to vector<10000x128xf32>
    %sub3A_22 = arith.subf %div3A_16, %sub3A : vector<10000x128xf32>
    %integer_pow3A = arith.mulf %sub3A_22, %sub3A_22 : vector<10000x128xf32>
    %reduce_sum3A_23 = arith.constant dense<0.000000e+00> : vector<128xf32>
    %reduce_sum3A_24 = vector.multi_reduction <add>, %integer_pow3A, %reduce_sum3A_23 [0] : vector<10000x128xf32> to vector<128xf32>
    %div3A_25 = arith.constant 1.000000e+04 : f32
    %div3A_26 = vector.broadcast %div3A_25 : f32 to vector<128xf32>
    %div3A_27 = arith.divf %reduce_sum3A_24, %div3A_26 : vector<128xf32>
    %get3A_28 = arith.constant 0 : index
    %get3A_29 = vector.load %arg2[%get3A_28] : memref<128xf32, #tpu.memory_space<vmem>>, vector<128xf32>
    %broadcast_in_dim3A_30 = vector.shape_cast %get3A_29 : vector<128xf32> to vector<1x128xf32>
    %broadcast_in_dim3A_31 = vector.shape_cast %div3A_20 : vector<128xf32> to vector<1x128xf32>
    %sub3A_32 = vector.broadcast %broadcast_in_dim3A_31 : vector<1x128xf32> to vector<10000x128xf32>
    %sub3A_33 = arith.subf %div3A_16, %sub3A_32 : vector<10000x128xf32>
    %mul3A = vector.broadcast %broadcast_in_dim3A_30 : vector<1x128xf32> to vector<10000x128xf32>
    %mul3A_34 = arith.mulf %mul3A, %sub3A_33 : vector<10000x128xf32>
    %add3A_35 = arith.constant 9.99999974E-6 : f32
    %add3A_36 = vector.broadcast %add3A_35 : f32 to vector<128xf32>
    %add3A_37 = arith.addf %div3A_27, %add3A_36 : vector<128xf32>
    %sqrt3A = math.sqrt %add3A_37 : vector<128xf32>
    %broadcast_in_dim3A_38 = vector.shape_cast %sqrt3A : vector<128xf32> to vector<1x128xf32>
    %div3A_39 = vector.broadcast %broadcast_in_dim3A_38 : vector<1x128xf32> to vector<10000x128xf32>
    %div3A_40 = arith.divf %mul3A_34, %div3A_39 : vector<10000x128xf32>
    %get3A_41 = arith.constant 0 : index
    %get3A_42 = vector.load %arg3[%get3A_41] : memref<128xf32, #tpu.memory_space<vmem>>, vector<128xf32>
    %broadcast_in_dim3A_43 = vector.shape_cast %get3A_42 : vector<128xf32> to vector<1x128xf32>
    %add3A_44 = vector.broadcast %broadcast_in_dim3A_43 : vector<1x128xf32> to vector<10000x128xf32>
    %add3A_45 = arith.addf %div3A_40, %add3A_44 : vector<10000x128xf32>
    %max3A_46 = arith.constant 0.000000e+00 : f32
    %max3A_47 = vector.broadcast %max3A_46 : f32 to vector<10000x128xf32>
    %max3A_48 = arith.maximumf %add3A_45, %max3A_47 : vector<10000x128xf32>
    %get3A_49 = arith.constant 0 : index
    %get3A_50 = arith.constant 0 : index
    %get3A_51 = vector.load %arg4[%get3A_49, %get3A_50] : memref<64x128xf32, #tpu.memory_space<vmem>>, vector<64x128xf32>
    %dot_general3A = arith.constant dense<0.000000e+00> : vector<10000x64xf32>
    %dot_general3A_52 = tpu.matmul %max3A_48, %get3A_51, %dot_general3A {dimension_numbers = #tpu.dot_dimension_numbers<[1], [1], [0], [0], [0, 0, 1, 0], [], []>, transpose_lhs_hint = false} : vector<10000x128xf32>, vector<64x128xf32>, vector<10000x64xf32> -> vector<10000x64xf32>
    %get3A_53 = arith.constant 0 : index
    %get3A_54 = vector.load %arg5[%get3A_53] : memref<64xf32, #tpu.memory_space<vmem>>, vector<64xf32>
    %broadcast_in_dim3A_55 = vector.shape_cast %get3A_54 : vector<64xf32> to vector<1x64xf32>
    %add3A_56 = vector.broadcast %broadcast_in_dim3A_55 : vector<1x64xf32> to vector<10000x64xf32>
    %add3A_57 = arith.addf %dot_general3A_52, %add3A_56 : vector<10000x64xf32>
    %max3A_58 = arith.constant 0.000000e+00 : f32
    %max3A_59 = vector.broadcast %max3A_58 : f32 to vector<10000x64xf32>
    %max3A_60 = arith.maximumf %add3A_57, %max3A_59 : vector<10000x64xf32>
    %get3A_61 = arith.constant 0 : index
    %get3A_62 = arith.constant 0 : index
    %get3A_63 = vector.load %arg6[%get3A_61, %get3A_62] : memref<32x64xf32, #tpu.memory_space<vmem>>, vector<32x64xf32>
    %dot_general3A_64 = arith.constant dense<0.000000e+00> : vector<10000x32xf32>
    %dot_general3A_65 = tpu.matmul %max3A_60, %get3A_63, %dot_general3A_64 {dimension_numbers = #tpu.dot_dimension_numbers<[1], [1], [0], [0], [0, 0, 1, 0], [], []>, transpose_lhs_hint = false} : vector<10000x64xf32>, vector<32x64xf32>, vector<10000x32xf32> -> vector<10000x32xf32>
    %get3A_66 = arith.constant 0 : index
    %get3A_67 = vector.load %arg7[%get3A_66] : memref<32xf32, #tpu.memory_space<vmem>>, vector<32xf32>
    %broadcast_in_dim3A_68 = vector.shape_cast %get3A_67 : vector<32xf32> to vector<1x32xf32>
    %add3A_69 = vector.broadcast %broadcast_in_dim3A_68 : vector<1x32xf32> to vector<10000x32xf32>
    %add3A_70 = arith.addf %dot_general3A_65, %add3A_69 : vector<10000x32xf32>
    %max3A_71 = arith.constant 0.000000e+00 : f32
    %max3A_72 = vector.broadcast %max3A_71 : f32 to vector<10000x32xf32>
    %max3A_73 = arith.maximumf %add3A_70, %max3A_72 : vector<10000x32xf32>
    %get3A_74 = arith.constant 0 : index
    %get3A_75 = arith.constant 0 : index
    %get3A_76 = vector.load %arg8[%get3A_74, %get3A_75] : memref<16x32xf32, #tpu.memory_space<vmem>>, vector<16x32xf32>
    %dot_general3A_77 = arith.constant dense<0.000000e+00> : vector<10000x16xf32>
    %dot_general3A_78 = tpu.matmul %max3A_73, %get3A_76, %dot_general3A_77 {dimension_numbers = #tpu.dot_dimension_numbers<[1], [1], [0], [0], [0, 0, 1, 0], [], []>, transpose_lhs_hint = false} : vector<10000x32xf32>, vector<16x32xf32>, vector<10000x16xf32> -> vector<10000x16xf32>
    %get3A_79 = arith.constant 0 : index
    %get3A_80 = vector.load %arg9[%get3A_79] : memref<16xf32, #tpu.memory_space<vmem>>, vector<16xf32>
    %broadcast_in_dim3A_81 = vector.shape_cast %get3A_80 : vector<16xf32> to vector<1x16xf32>
    %add3A_82 = vector.broadcast %broadcast_in_dim3A_81 : vector<1x16xf32> to vector<10000x16xf32>
    %add3A_83 = arith.addf %dot_general3A_78, %add3A_82 : vector<10000x16xf32>
    %swap3A = arith.constant 0 : index
    %swap3A_84 = arith.constant 0 : index
    %swap3A_85 = vector.load %arg10[%swap3A, %swap3A_84] : memref<10000x16xf32, #tpu.memory_space<vmem>>, vector<10000x16xf32>
    tpu.vector_store %arg10[%swap3A, %swap3A_84], %add3A_83 {strides = array<i32>} : memref<10000x16xf32, #tpu.memory_space<vmem>>, vector<10000x16xf32>,
    return
  }
}

</mosaic_0001>

<sc_bundles>
// kernel: kernel.5.cloned.1.call-start
scs
__scs_entry_jumppad:
0x0: {  	(pc) =	sbr.rel $0x88, $3  }
0x1: {  	(tag) =	ssettag $0x0;
	lr =	simm.s32 $0x1  }
0x2: {  	[smem:$0x3F90] =	sst lr;
	_ =	strace $0xD0000000  }
0x3: {  	_ = 	snop  }
0x4: {  	_ = 	snop  }
0x5: {  	_ = 	snop  }
0x6: {  	_ = 	snop  }
0x7: {  	_ = 	snop  }
__scs_overlays_trampoline_lowered:
0x8: {  	[smem:$0x3F9F] =	sst s0  }
0x9: {  	[smem:$0x3FA0] =	sst s1  }
0xa: {  	[smem:$0x3FA1] =	sst s2  }
0xb: {  	[smem:$0x3FA2] =	sst s3  }
0xc: {  	[smem:$0x3FA3] =	sst s4  }
0xd: {  	[smem:$0x3FA4] =	sst s5  }
0xe: {  	[smem:$0x3FA5] =	sst s6  }
0xf: {  	[smem:$0x3FA6] =	sst s7  }
0x10: {  	[smem:$0x3FA7] =	sst s8  }
0x11: {  	[smem:$0x3FA8] =	sst s9;
	s0 =	simm.s32 @!p0 $0x0  }
0x12: {  	s1 =	sld [smem:$0x3F8E];
	s0 =	simm.s32 @p0 $0x1  }
0x13: {  	[smem:$0x3FA9] =	sst s0;
	s0 =	simm.s32 @!p1 $0x0  }
0x14: {  	s2 =	sld [smem:$0x3F8D];
	s0 =	simm.s32 @p1 $0x1  }
0x15: {  	[smem:$0x3FAA] =	sst s0;
	s0 =	simm.s32 @!p2 $0x0  }
0x16: {  	s3 =	sld [smem:$0x3FDB];
	s0 =	simm.s32 @p2 $0x1  }
0x17: {  	s4 =	simm.s32 $0x1BF5;
	[smem:$0x3FAC] =	sst s0  }
0x18: {  	s0 =	sld [smem:$0x3F8F];
	_ =	swait.ge [sflag:s4], $0x0  }
0x19: {  	s7 =	sld [smem:$0x3F90]  }
0x1a: {  	s8 =	sadd.s32 $0xFFFFE003, lr  }
0x1b: {  	s9 =	sadd.s32 $0xFFFFFEF7, lr;
	s5 =	simm.s32 $0xFFFFFFFF;
	p2 =	slt.u32 s8, $0xFFFFF086  }
0x1c: {  	p1 =	slt.u32 s9, $0xF7A;
	s5 =	simm.s32 @!p2 $0x0  }
0x1d: {  	s5 =	simm.s32 @p1 $0x1;
	p0 =	seq.s32 s7, s2  }
0x1e: {  	s7 =	smul.u32 @!p0 $0xF7A, s2;
	p2 =	seq.s32 @!p0 s5, $0x0  }
0x1f: {  	s9 =	smul.u32 $0xF7A, s1;
	s8 =	simm.s32 @!p0 $0x1BF5;
	p2 =	por !p2, p0  }
0x20: {  	[sflag:s8] =	ssyncset.s32 @!p0 $0xFFFFF086;
	s6 =	sadd.s32 @!p0 s3, s7;
	s7 =	simm.s32 @!p0 $0x108  }
0x21: {  	s3 =	sadd.s32 s3, s9;
	s6 =	sadd.s32 @!p0 $0x88, s6;
	s7 =	simm.s32 @p2 $0x1082  }
0x22: {  	[simem:s7], [sflag:s8] =	dma.local @!p0 [hbm:s6], $0xF7A  }
0x23: {  	s9 =	sor.u32 $0xD0000000, s2;
	s6 =	simm.s32 $0x108;
	_ =	swait.ge @!p0 [sflag:s8], $0x0  }
0x24: {  	s3 =	sadd.s32 $0x88, s3;
	s6 =	simm.s32 @!p1 $0x1082;
	[sflag:s4] =	ssyncset.s32 $0xFFFFF086  }
0x25: {  	[simem:s6], [sflag:s4] =	dma.local [hbm:s3], $0xF7A  }
0x26: {  	[smem:$0x3F90] =	sst s1;
	(tag) =	ssettag s2;
	_ =	strace s9  }
0x27: {  	s1 =	sld [smem:$0x3FA0]  }
0x28: {  	s2 =	sld [smem:$0x3FA1]  }
0x29: {  	s4 =	sld [smem:$0x3FA3]  }
0x2a: {  	p0 =	seq.s32 s5, $0x0;
	s5 =	sld [smem:$0x3FA4]  }
0x2b: {  	s6 =	sld [smem:$0x3FA5]  }
0x2c: {  	s7 =	sld [smem:$0x3FA6]  }
0x2d: {  	s3 =	simm.s32 $0x108;
	s8 =	sld [smem:$0x3FA7]  }
0x2e: {  	s3 =	simm.s32 @!p0 $0x1082;
	s9 =	sld [smem:$0x3FA8]  }
0x2f: {  	lr =	sadd.s32 s0, s3;
	s0 =	sld [smem:$0x3F9F]  }
0x30: {  	s3 =	sld [smem:$0x3FA2]  }
0x31: {  	[smem:$0x3FAB] =	sst s10  }
0x32: {  	s10 =	sld [smem:$0x3FA9];
	_ =	sdelay $0x3  }
0x33: {  	p0 =	seq.s32 s10, $0x1;
	s10 =	sld [smem:$0x3FAB];
	_ =	sdelay $0x3  }
0x34: {  	[smem:$0x3FAB] =	sst s10  }
0x35: {  	s10 =	sld [smem:$0x3FAA];
	_ =	sdelay $0x3  }
0x36: {  	p1 =	seq.s32 s10, $0x1;
	s10 =	sld [smem:$0x3FAB];
	_ =	sdelay $0x3  }
0x37: {  	[smem:$0x3FAB] =	sst s10  }
0x38: {  	s10 =	sld [smem:$0x3FAC]  }
0x39: {  	_ = 	snop;
	(pc) =	sbr.ind lr, $3  }
0x3a: {  	_ = 	snop  }
0x3b: {  	_ = 	snop  }
0x3c: {  	p2 =	seq.s32 s10, $0x1;
	s10 =	sld [smem:$0x3FAB]  }
0x3d: {  	_ =	shalt  }
0x3e: {  	_ =	shalt  }
0x3f: {  	_ =	shalt  }
0x40: {  	_ =	shalt  }
0x41: {  	_ =	shalt  }
0x42: {  	_ =	shalt  }
0x43: {  	_ =	shalt  }
0x44: {  	_ =	shalt  }
0x45: {  	_ =	shalt  }
0x46: {  	_ =	shalt  }
0x47: {  	_ =	shalt  }
0x48: {  	_ =	shalt  }
0x49: {  	_ =	shalt  }
0x4a: {  	_ =	shalt  }
0x4b: {  	_ =	shalt  }
0x4c: {  	_ =	shalt  }
0x4d: {  	_ =	shalt  }
0x4e: {  	_ =	shalt  }
0x4f: {  	_ =	shalt  }
0x50: {  	_ =	shalt  }
0x51: {  	_ =	shalt  }
0x52: {  	_ =	shalt  }
0x53: {  	_ =	shalt  }
0x54: {  	_ =	shalt  }
0x55: {  	_ =	shalt  }
0x56: {  	_ =	shalt  }
0x57: {  	_ =	shalt  }
0x58: {  	_ =	shalt  }
0x59: {  	_ =	shalt  }
0x5a: {  	_ =	shalt  }
0x5b: {  	_ =	shalt  }
0x5c: {  	_ =	shalt  }
0x5d: {  	_ =	shalt  }
0x5e: {  	_ =	shalt  }
0x5f: {  	_ =	shalt  }
0x60: {  	_ =	shalt  }
0x61: {  	_ =	shalt  }
0x62: {  	_ =	shalt  }
0x63: {  	_ =	shalt  }
0x64: {  	_ =	shalt  }
0x65: {  	_ =	shalt  }
0x66: {  	_ =	shalt  }
0x67: {  	_ =	shalt  }
0x68: {  	_ =	shalt  }
0x69: {  	_ =	shalt  }
0x6a: {  	_ =	shalt  }
0x6b: {  	_ =	shalt  }
0x6c: {  	_ =	shalt  }
0x6d: {  	_ =	shalt  }
0x6e: {  	_ =	shalt  }
0x6f: {  	_ =	shalt  }
0x70: {  	_ =	shalt  }
0x71: {  	_ =	shalt  }
0x72: {  	_ =	shalt  }
0x73: {  	_ =	shalt  }
0x74: {  	_ =	shalt  }
0x75: {  	_ =	shalt  }
0x76: {  	_ =	shalt  }
0x77: {  	_ =	shalt  }
0x78: {  	_ =	shalt  }
0x79: {  	_ =	shalt  }
0x7a: {  	_ =	shalt  }
0x7b: {  	_ =	shalt  }
0x7c: {  	_ =	shalt  }
0x7d: {  	_ =	shalt  }
0x7e: {  	_ =	shalt  }
0x7f: {  	_ =	shalt  }
0x80: {  	_ =	shalt  }
0x81: {  	_ =	shalt  }
0x82: {  	_ =	shalt  }
0x83: {  	_ =	shalt  }
0x84: {  	_ =	shalt  }
0x85: {  	_ =	shalt  }
0x86: {  	_ =	shalt  }
0x87: {  	_ =	shalt  }
.Lfunc_end0:
.L_simem_size_0:
called_computation_lowered:
.L_overlay_start_0:
0x88: {  	s2 =	sld [smem:$0x3FD9]  }
0x89: {  	s3 =	sld [smem:$0x3FFE];
	_ =	sdelay $0x1  }
0x8a: {  	s1 =	srdreg.scid  }
0x8b: {  	s0 =	sand.u32 $0x1, s1  }
0x8c: {  	s17 =	sshll.u32 s0, $0xA;
	s2 =	sadd.s32 s3, s2  }
0x8d: {  	s2 =	sadd.s32 s2, s17  }
0x8e: {  	[smem:$0x3FB7] =	sst s2  }
0x8f: {  	_ = 	snop  }
0x90: {  	s2 =	sld [smem:$0x3FD0];
	(tm) =	ssettm $0x1  }
0x91: {  	s18 =	sld [smem:$0x3FFB];
	_ =	sdelay $0x3  }
0x92: {  	_ =	strace s18  }
0x93: {  	s3 =	sld [smem:$0x3FFC];
	_ =	sdelay $0x3  }
0x94: {  	_ =	strace s3  }
0x95: {  	s3 =	sld [smem:$0x3FFD];
	_ =	sdelay $0x3  }
0x96: {  	_ =	strace s3  }
0x97: {  	_ =	strace $0x8FFFFFFF  }
0x98: {  	s19 =	sld [smem:$0x3FDB];
	_ =	sdelay $0x1  }
0x99: {  	s4 =	simm.s32 $_scs_section_size  }
0x9a: {  	s5 =	simm.s32 $_size__tile_overlayer_lowered;
	s6 =	simm.s32 $_tile_overlayer_lowered  }
0x9b: {  	s22 =	simm.s32 $0x1BFF;
	s21 =	sshll.u32 s6, $0x1;
	s3 =	sadd.s32 s4, s19  }
0x9c: {  	s7 =	simm.s32 $0x0;
	s20 =	sshll.u32 s5, $0x1;
	s5 =	sadd.s32 s21, s3  }
0x9d: {  	[timem:s7], [sflag:s22] =	dma.local [hbm:s5], s20  }
0x9e: {  	_ =	swait.ge [sflag:s22], s20  }
0x9f: {  	s4 =	ssub.s32 $0x0, s20;
	[sflag:s22] =	ssyncset.done $0x0  }
0xa0: {  	[sflag:s22] =	ssyncadd.s32 s4;
	_ =	sdelay $0x1  }
0xa1: {  	s23 =	simm.s32 $0x1B8B  }
0xa2: {  	_ =	swait.ge [sflag:s23], $0x1  }
0xa3: {  	[sflag:s23] =	ssyncset.done $0x0  }
0xa4: {  	s25 =	simm.s32 $0x1B8E;
	s24 =	sld [smem:$0x3FFE];
	[sflag:s23] =	ssyncadd.s32 $0xFFFFFFFF  }
0xa5: {  	s26 =	simm.s32 $execute0_lowered;
	[smem:$0x3FD2] =	sst s25  }
0xa6: {  	s5 =	sshll.u32 s26, $0x1;
	_ =	strace $0x80000046;
	[dreg:$0x1] =	wrdreg $0xFFFFFFFF  }
0xa7: {  	s28 =	simm.s32 $_size_execute0_lowered;
	s3 =	sadd.s32 s3, s5;
	[dreg:$0x0] =	wrdreg $0x0  }
0xa8: {  	s5 =	sshll.u32 s28, $0x1;
	[dreg:$0x2] =	wrdreg s3  }
0xa9: {  	[dreg:$0x3] =	wrdreg s5  }
0xaa: {  	[dreg:$0x4] =	wrdreg $0xC0  }
0xab: {  	_ =	task [dreg:s7], $0x5FFFF  }
0xac: {  	[dreg:$0x1] =	wrdreg $0xFFFFFFFF  }
0xad: {  	[dreg:$0x0] =	wrdreg $0x60  }
0xae: {  	[dreg:$0x2] =	wrdreg s24  }
0xaf: {  	[dreg:$0x3] =	wrdreg s2  }
0xb0: {  	[dreg:$0x4] =	wrdreg $0xA0800  }
0xb1: {  	[dreg:$0x5] =	wrdreg $0x1DEF80  }
0xb2: {  	[dreg:$0x6] =	wrdreg $0x1DC800  }
0xb3: {  	[dreg:$0x7] =	wrdreg $0x9  }
0xb4: {  	_ =	task.clear_ibuf [dreg:s7], $0x8FFFF;
	_ =	strace $0x90000046  }
0xb5: {  	s29 =	simm.s32 $0x9;
	_ =	strace $0x80000048  }
0xb6: {  	_ =	swait.ge [sflag:s29], $0x1  }
0xb7: {  	[sflag:s29] =	ssyncadd.s32 $0xFFFFFFFF  }
0xb8: {  	_ =	strace $0x90000048  }
0xb9: {  	_ =	sfence  }
0xba: {  	s30 =	sld [smem:$0x0];
	_ =	sdelay $0x2  }
0xbb: {  	s31 =	sshll.u32 s1, $0xD;
	s1 =	sshrl.u32 s1, $0x2  }
0xbc: {  	s3 =	sand.u32 $0x4000, s31;
	s1 =	sadd.s32 s1, s30  }
0xbd: {  	s0 =	sor.u32 s3, s0;
	s1 =	sshll.u32 s1, $0x11  }
0xbe: {  	s0 =	sor.u32 s1, s0  }
0xbf: {  	s0 =	sadd.s32 $0x8F2B, s0  }
0xc0: {  	[sflag:s0] =	ssyncadd.remote.s32 $0x1  }
0xc1: {  	_ =	sfence.sel $0xFFFF  }
0xc2: {  	[dreg:$0x0] =	wrdreg $0xFFFFFFFF;
	(pc) =	sbr.abs _section_cstart, $3  }
0xc3: {  	[dreg:$0x1] =	wrdreg $0xFFFFFFFF  }
0xc4: {  	_ =	task.clear_ibuf [dreg:s7], $0x2FFFF;
	_ =	strace $0x9FFFFFFF  }
0xc5: {  	(tm) =	ssettm $0x7FFFFFFF  }
tec
execute0_lowered:
.L_overlay_start_1:
0x0: {  	(tag) =	ssettag $0x1  }
0x1: {  	s0 =	rddreg [dreg:$0x0]  }
0x2: {  	s2 =	rddreg [dreg:$0x1]  }
0x3: {  	s1 =	rddreg [dreg:$0x2]  }
0x4: {  	s3 =	rddreg [dreg:$0x3]  }
0x5: {  	s4 =	rddreg [dreg:$0x4]  }
0x6: {  	s16 =	stileid.u32;
	s17 =	simm.s32 $0x0;
	s6 =	srdreg.scid  }
0x7: {  	s28 =	simm.s32 $0x8000;
	s29 =	simm.s32 $0x1;
	s30 =	simm.s32 $0x3  }
0x8: {  	s31 =	simm.s32 $0xA000;
	s5 =	smul.u32 $0x13C00, s16;
	[smem:$0x7FF] =	sst s17  }
0x9: {  	s7 =	smul.u32 $0x280, s16;
	s9 =	sand.u32 $0x1, s6;
	s6 =	sadd.s32 $0x52E00, s0  }
0xa: {  	s8 =	sadd.s32 $0x7A000, s0;
	s13 =	smul.u32 $0x4F000, s16;
	s22 =	sshll.u32 s16, $0x6  }
0xb: {  	s18 =	sadd.s32 $0x2580, s4;
	p0 =	sne.s32 s16, $0xF;
	p2 =	seq.s32 s16, $0xF  }
0xc: {  	_ =	strace $0x80000047;
	s10 =	smul.u32 $0x13C000, s9;
	[dreg:$0x7] =	wrdreg s8  }
0xd: {  	s8 =	sadd.s32 $0x2E00, s0;
	s20 =	ssub.s32 $0x2, s9;
	s21 =	sshll.u32 s9, $0x4  }
0xe: {  	s9 =	smul.u32 $0x2780, s9;
	p1 =	sne.s32 @p0 s16, $0x0;
	[dreg:$0xb] =	wrdreg s18  }
0xf: {  	s11 =	sshrl.u32 s5, $0x3;
	s12 =	sshrl.u32 s7, $0x3;
	s14 =	sshrl.u32 s20, $0x1  }
0x10: {  	s13 =	sshrl.u32 s13, $0x2;
	s15 =	sor.u32 s16, s21;
	s21 =	simm.s32 $0x7  }
0x11: {  	p1 =	por p1, !p0;
	s11 =	sadd.s32 s11, s0;
	s5 =	sadd.s32 s5, s10  }
0x12: {  	s12 =	sadd.s32 s12, s0;
	s14 =	ssub.s32 s20, s14;
	s13 =	sadd.s32 s13, s1  }
0x13: {  	s10 =	sor.u32 $0x1C07, s22;
	s23 =	sadd.s32 s7, s9;
	s24 =	sshrl.u32 s9, $0x3  }
0x14: {  	s15 =	smul.u32 $0x14, s15;
	s9 =	simm.s32 $0x5;
	s11 =	sadd.s32 $0x7AA00, s11  }
0x15: {  	s5 =	sshrl.u32 s5, $0x3;
	s12 =	sadd.s32 $0x7A400, s12;
	[dreg:$0x8] =	wrdreg s11  }
0x16: {  	s26 =	smax.u32 s14, $0x1;
	s13 =	sshrl.u32 s13, $0x3;
	[dreg:$0xa] =	wrdreg s12  }
0x17: {  	s5 =	sadd.s32 s5, s0;
	s11 =	sadd.s32 s7, s4;
	[dreg:$0x10] =	wrdreg s26  }
0x18: {  	s0 =	sadd.s32 $0x7A8B0, s0;
	s7 =	sadd.s32 s2, s24;
	[dreg:$0x11] =	wrdreg s13  }
0x19: {  	s24 =	simm.s32 $0x2000;
	s26 =	simm.s32 $0x4000;
	[dreg:$0xc] =	wrdreg s0  }
0x1a: {  	s12 =	simm.s32 $0x6;
	s5 =	sadd.s32 $0xA2200, s5;
	[dreg:$0x9] =	wrdreg s11  }
0x1b: {  	s0 =	sshrl.u32 s23, $0x3;
	s25 =	sadd.s32 $0x4B0, s7;
	[dreg:$0xd] =	wrdreg s5  }
0x1c: {  	s23 =	simm.s32 $0x40;
	s0 =	sadd.s32 s2, s0;
	[dreg:$0xf] =	wrdreg s25  }
0x1d: {  	s25 =	simm.s32 $0x6000;
	[dreg:$0xe] =	wrdreg s0;
	s0 =	sshrl.u32 @p0 s11, $0x3  }
0x1e: {  	v0 =	vimm.f32 $1.000000000e+00;
	s2 =	simm.s32 $0x4;
	[dreg:$0x12] =	wrdreg s0;
	s0 =	simm.s32 $0x2  }
.LBB2_1:
0x1f: {  	[dreg:$0x6] =	wrdreg s17  }
0x20: {  	s5 =	rddreg [dreg:$0x8]  }
0x21: {  	[spmem:s13], [sflag:s10] =	dma.local [hbm:s5], $0x2780  }
0x22: {  	_ =	swait.ge [sflag:s21], $0x2780  }
0x23: {  	[sflag:s21] =	ssyncset.done $0x0;
	s5 =	rddreg [dreg:$0xa]  }
0x24: {  	s7 =	rddreg [dreg:$0x12];
	[sflag:s21] =	ssyncadd.s32 $0xFFFFD880  }
0x25: {  	[spmem:s7], [sflag:s10] =	dma.local @p0 [hbm:s5], $0x50  }
0x26: {  	s5 =	simm.s32 @p0 $0x7  }
0x27: {  	_ =	swait.ge @p0 [sflag:s5], $0x50  }
0x28: {  	[sflag:s5] =	ssyncset.done @p0 $0x0  }
0x29: {  	s7 =	rddreg [dreg:$0x7];
	[sflag:s5] =	ssyncadd.s32 @p0 $0xFFFFFFB0;
	s5 =	sshrl.u32 @!p1 s3, $0x3  }
0x2a: {  	[spmem:s5], [sflag:s10] =	dma.local @!p1 [hbm:s7], $0x400  }
0x2b: {  	s5 =	simm.s32 @!p1 $0x7  }
0x2c: {  	_ =	swait.ge @!p1 [sflag:s5], $0x400  }
0x2d: {  	[sflag:s5] =	ssyncset.done @!p1 $0x0  }
0x2e: {  	s7 =	rddreg [dreg:$0xc];
	[sflag:s5] =	ssyncadd.s32 @!p1 $0xFFFFFC00;
	s5 =	sshrl.u32 @!p0 s18, $0x3  }
0x2f: {  	[spmem:s5], [sflag:s10] =	dma.local @!p0 [hbm:s7], $0x40  }
0x30: {  	s5 =	simm.s32 @!p0 $0x7  }
0x31: {  	_ =	swait.ge @!p0 [sflag:s5], $0x40  }
0x32: {  	[sflag:s5] =	ssyncset.done @!p0 $0x0  }
0x33: {  	[sflag:s5] =	ssyncadd.s32 @!p0 $0xFFFFFFC0  }
0x34: {  	[tilespmem:$0xA000] =	vst v0  }
0x35: {  	[tilespmem:$0xA010] =	vst v0  }
0x36: {  	[tilespmem:$0xA020] =	vst v0  }
0x37: {  	[tilespmem:$0xA030] =	vst v0  }
0x38: {  	s14 =	simm.s32 $0x0;
	[bflag:$0x0] =	sbarrier.arrive $0xFFFF  }
.LBB2_2:
0x39: {  	s5 =	sadd.s32 s15, s14  }
0x3a: {  	s7 =	sshll.u32 s14, $0xC;
	s5 =	sshll.u32 s5, $0x9  }
0x3b: {  	s16 =	sand.u32 $0x1000, s7;
	s7 =	simm.s32 $0x0;
	s5 =	sadd.s32 s8, s5  }
0x3c: {  	[tilespmem:s16], [sflag:$0x7] =	stream.linear.gather [hbm4b:s5+s7], $0x180, $0x38;
	[tilespmem:$0x1E0F8] =	vst v63  }
0x3d: {  	s13 =	sor.u32 $0x200, s16;
	s11 =	sadd.s32 $0x40, s5  }
0x3e: {  	[tilespmem:s13], [sflag:$0x7] =	stream.linear.gather [hbm4b:s11+s7], $0x180, $0x38;
	[tilespmem:$0x1E0F8] =	vst v63  }
0x3f: {  	s17 =	sor.u32 $0x400, s16;
	s13 =	sadd.s32 $0x80, s5  }
0x40: {  	[tilespmem:s17], [sflag:$0x7] =	stream.linear.gather [hbm4b:s13+s7], $0x180, $0x38;
	[tilespmem:$0x1E0F8] =	vst v63  }
0x41: {  	s19 =	sor.u32 $0x600, s16;
	s18 =	sadd.s32 $0xC0, s5  }
0x42: {  	[tilespmem:s19], [sflag:$0x7] =	stream.linear.gather [hbm4b:s18+s7], $0x180, $0x38;
	[tilespmem:$0x1E0F8] =	vst v63  }
0x43: {  	s22 =	sor.u32 $0x800, s16;
	s20 =	sadd.s32 $0x100, s5  }
0x44: {  	[tilespmem:s22], [sflag:$0x7] =	stream.linear.gather [hbm4b:s20+s7], $0x180, $0x38;
	[tilespmem:$0x1E0F8] =	vst v63  }
0x45: {  	s17 =	sadd.s32 $0x140, s5;
	s18 =	sor.u32 $0xA00, s16  }
0x46: {  	[tilespmem:s18], [sflag:$0x7] =	stream.linear.gather [hbm4b:s17+s7], $0x180, $0x38;
	[tilespmem:$0x1E0F8] =	vst v63  }
0x47: {  	s19 =	sadd.s32 $0x180, s5;
	s20 =	sor.u32 $0xC00, s16  }
0x48: {  	[tilespmem:s20], [sflag:$0x7] =	stream.linear.gather [hbm4b:s19+s7], $0x180, $0x38;
	[tilespmem:$0x1E0F8] =	vst v63  }
0x49: {  	s5 =	sadd.s32 $0x1C0, s5;
	s22 =	sor.u32 $0xE00, s16  }
0x4a: {  	[tilespmem:s22], [sflag:$0x7] =	stream.linear.gather [hbm4b:s5+s7], $0x180, $0x38;
	[tilespmem:$0x1E0F8] =	vst v63  }
0x4b: {  	_ =	swait.ge [sflag:s21], $0xC00  }
0x4c: {  	[sflag:s21] =	ssyncset.done $0x0  }
0x4d: {  	s17 =	sshll.u32 s14, $0x3;
	[sflag:s21] =	ssyncadd.s32 $0xFFFFF400  }
.LBB2_3:
0x4e: {  	s5 =	sshll.u32 s7, $0x1  }
0x4f: {  	s19 =	sadd.s32 s17, s5  }
0x50: {  	p3 =	sne.s32 s19, $0x0  }
.Ltmp0:
0x51: {  	_ = 	snop;
	(pc) =	sbr.rel @!p3 .LBB2_4-.Ltmp0, $3  }
0x52: {  	_ =	sdelay $0x1  }
0x53: {  	s22 =	sshll.u32 s7, $0xC  }
0x54: {  	s5 =	sshra.s32 s22, $0x2  }
0x55: {  	_ =	swait.ge [sflag:s9], $0x2000  }
0x56: {  	[sflag:s9] =	ssyncset.done $0x0  }
0x57: {  	[sflag:s9] =	ssyncadd.s32 $0xFFFFE000  }
0x58: {  	_ =	swait.ge [sflag:s9], $0x40  }
0x59: {  	[sflag:s9] =	ssyncset.done $0x0  }
0x5a: {  	s18 =	sadd.s32 s5, s16;
	[sflag:s9] =	ssyncadd.s32 $0xFFFFFFC0  }
0x5b: {  	[tilespmem:s24], [sflag:$0x1] =	stream.indirect.gather [hbm4b:s6+s23], $0x80, s18, s23, $0xb8;
	[tilespmem:$0x1E0F8] =	vst v63  }
0x5c: {  	s5 =	sadd.s32 $0x80, s18  }
0x5d: {  	[tilespmem:s25], [sflag:$0x3] =	stream.indirect.gather [spmem:s3], $0x80, s5, s23, $0xb8;
	[tilespmem:$0x1E0F8] =	vst v63  }
0x5e: {  	_ =	swait.ge [sflag:s0], $0x2000  }
0x5f: {  	[sflag:s0] =	ssyncset.done $0x0  }
0x60: {  	[sflag:s0] =	ssyncadd.s32 $0xFFFFE000  }
0x61: {  	_ =	swait.ge [sflag:s2], $0x2000  }
0x62: {  	[sflag:s2] =	ssyncset.done $0x0  }
0x63: {  	s22 =	simm.s32 $0x4100;
	[sflag:s2] =	ssyncadd.s32 $0xFFFFE000  }
0x64: {  	s11 =	simm.s32 $0x8100;
	v1 =	vld [tilespmem:s22+$0x80]  }
0x65: {  	v2 =	vld [tilespmem:s11+$0x80]  }
0x66: {  	v3 =	vld [tilespmem:s11+$0xFFFFFF00]  }
0x67: {  	v4 =	vld [tilespmem:s22+$0xFFFFFF80]  }
0x68: {  	v5 =	vld [tilespmem:s11+$0xFFFFFF80]  }
0x69: {  	v6 =	vld [tilespmem:s11+$0x0]  }
0x6a: {  	v1 =	vadd.f32 v2, v1;
	v2 =	vld [tilespmem:s22+$0x0]  }
0x6b: {  	v7 =	vld [tilespmem:s22+$0xFFFFFF00]  }
0x6c: {  	v1 =	vmax.f32 v1, $0.0e+00  }
0x6d: {  	v4 =	vadd.f32 v5, v4;
	[tilespmem:s22+$0x80] =	vst v1;
	v1 =	vld [tilespmem:s22+$0x90]  }
0x6e: {  	v8 =	vld [tilespmem:s11+$0x90]  }
0x6f: {  	v9 =	vld [tilespmem:s22+$0xFFFFFF90];
	v4 =	vmax.f32 v4, $0.0e+00;
	v2 =	vadd.f32 v6, v2  }
0x70: {  	v5 =	vld [tilespmem:s22+$0xFFFFFF10];
	v3 =	vadd.f32 v3, v7;
	[tilespmem:s22+$0xFFFFFF80] =	vst v4  }
0x71: {  	v6 =	vld [tilespmem:s11+$0xFFFFFF90];
	v2 =	vmax.f32 v2, $0.0e+00  }
0x72: {  	v3 =	vmax.f32 v3, $0.0e+00;
	v4 =	vld [tilespmem:s22+$0x10];
	[tilespmem:s22+$0x0] =	vst v2  }
0x73: {  	[tilespmem:s22+$0xFFFFFF00] =	vst v3;
	v1 =	vadd.f32 v8, v1;
	v2 =	vld [tilespmem:s11+$0x10]  }
0x74: {  	v3 =	vld [tilespmem:s11+$0xFFFFFF10]  }
0x75: {  	v1 =	vmax.f32 v1, $0.0e+00  }
0x76: {  	v6 =	vadd.f32 v6, v9;
	[tilespmem:s22+$0x90] =	vst v1;
	v1 =	vld [tilespmem:s22+$0xA0]  }
0x77: {  	v8 =	vld [tilespmem:s11+$0xA0]  }
0x78: {  	v7 =	vld [tilespmem:s22+$0xFFFFFF20];
	v6 =	vmax.f32 v6, $0.0e+00;
	v2 =	vadd.f32 v2, v4  }
0x79: {  	v3 =	vadd.f32 v3, v5;
	v9 =	vld [tilespmem:s22+$0xFFFFFFA0];
	[tilespmem:s22+$0xFFFFFF90] =	vst v6  }
0x7a: {  	v5 =	vld [tilespmem:s11+$0xFFFFFFA0];
	v2 =	vmax.f32 v2, $0.0e+00  }
0x7b: {  	v3 =	vmax.f32 v3, $0.0e+00;
	v4 =	vld [tilespmem:s22+$0x20];
	[tilespmem:s22+$0x10] =	vst v2  }
0x7c: {  	[tilespmem:s22+$0xFFFFFF10] =	vst v3;
	v1 =	vadd.f32 v8, v1;
	v2 =	vld [tilespmem:s11+$0x20]  }
0x7d: {  	v3 =	vld [tilespmem:s11+$0xFFFFFF20]  }
0x7e: {  	v1 =	vmax.f32 v1, $0.0e+00  }
0x7f: {  	v5 =	vadd.f32 v5, v9;
	[tilespmem:s22+$0xA0] =	vst v1;
	v1 =	vld [tilespmem:s22+$0xB0]  }
0x80: {  	v8 =	vld [tilespmem:s11+$0xB0]  }
0x81: {  	v10 =	vld [tilespmem:s22+$0x30];
	v5 =	vmax.f32 v5, $0.0e+00;
	v2 =	vadd.f32 v2, v4  }
0x82: {  	v3 =	vadd.f32 v3, v7;
	v9 =	vld [tilespmem:s22+$0xFFFFFFB0];
	[tilespmem:s22+$0xFFFFFFA0] =	vst v5  }
0x83: {  	v4 =	vld [tilespmem:s11+$0xFFFFFFB0];
	v2 =	vmax.f32 v2, $0.0e+00  }
0x84: {  	v6 =	vld [tilespmem:s22+$0xFFFFFF30];
	[tilespmem:s22+$0x20] =	vst v2;
	v2 =	vmax.f32 v3, $0.0e+00  }
0x85: {  	v1 =	vadd.f32 v8, v1;
	[tilespmem:s22+$0xFFFFFF20] =	vst v2;
	v2 =	vld [tilespmem:s11+$0x30]  }
0x86: {  	v7 =	vld [tilespmem:s11+$0xFFFFFF30]  }
0x87: {  	v11 =	vld [tilespmem:s22+$0xFFFFFF40];
	v1 =	vmax.f32 v1, $0.0e+00  }
0x88: {  	v4 =	vadd.f32 v4, v9;
	[tilespmem:s22+$0xB0] =	vst v1;
	v1 =	vld [tilespmem:s22+$0xC0]  }
0x89: {  	v8 =	vld [tilespmem:s11+$0xC0]  }
0x8a: {  	v12 =	vld [tilespmem:s22+$0xFFFFFFD0];
	v4 =	vmax.f32 v4, $0.0e+00;
	v2 =	vadd.f32 v2, v10  }
0x8b: {  	v5 =	vld [tilespmem:s22+$0xFFFFFFC0];
	[tilespmem:s22+$0xFFFFFFB0] =	vst v4;
	v6 =	vadd.f32 v7, v6  }
0x8c: {  	v7 =	vld [tilespmem:s11+$0xFFFFFFC0];
	v2 =	vmax.f32 v2, $0.0e+00  }
0x8d: {  	v3 =	vld [tilespmem:s22+$0x40];
	[tilespmem:s22+$0x30] =	vst v2;
	v2 =	vmax.f32 v6, $0.0e+00  }
0x8e: {  	v1 =	vadd.f32 v8, v1;
	v6 =	vld [tilespmem:s11+$0x40];
	[tilespmem:s22+$0xFFFFFF30] =	vst v2  }
0x8f: {  	v2 =	vld [tilespmem:s11+$0xFFFFFF40]  }
0x90: {  	v9 =	vld [tilespmem:s22+$0xFFFFFF50];
	v1 =	vmax.f32 v1, $0.0e+00  }
0x91: {  	[tilespmem:s22+$0xC0] =	vst v1;
	v1 =	vadd.f32 v7, v5;
	v7 =	vld [tilespmem:s22+$0xD0]  }
0x92: {  	v8 =	vld [tilespmem:s11+$0xD0]  }
0x93: {  	v4 =	vld [tilespmem:s22+$0xFFFFFF60];
	v1 =	vmax.f32 v1, $0.0e+00;
	v3 =	vadd.f32 v6, v3  }
0x94: {  	v10 =	vld [tilespmem:s22+$0x50];
	[tilespmem:s22+$0xFFFFFFC0] =	vst v1;
	v1 =	vadd.f32 v2, v11  }
0x95: {  	v2 =	vld [tilespmem:s11+$0xFFFFFFD0];
	v3 =	vmax.f32 v3, $0.0e+00  }
0x96: {  	v5 =	vld [tilespmem:s22+$0xFFFFFFE0];
	[tilespmem:s22+$0x40] =	vst v3;
	v1 =	vmax.f32 v1, $0.0e+00  }
0x97: {  	v3 =	vld [tilespmem:s11+$0x50];
	v7 =	vadd.f32 v8, v7;
	[tilespmem:s22+$0xFFFFFF40] =	vst v1  }
0x98: {  	v1 =	vld [tilespmem:s11+$0xFFFFFF50]  }
0x99: {  	v6 =	vld [tilespmem:s22+$0x60];
	v7 =	vmax.f32 v7, $0.0e+00  }
0x9a: {  	v2 =	vadd.f32 v2, v12;
	[tilespmem:s22+$0xD0] =	vst v7;
	v7 =	vld [tilespmem:s22+$0xE0]  }
0x9b: {  	v11 =	vld [tilespmem:s11+$0xE0]  }
0x9c: {  	v2 =	vmax.f32 v2, $0.0e+00;
	v8 =	vadd.f32 v3, v10;
	v3 =	vld [tilespmem:s22+$0xFFFFFF70]  }
0x9d: {  	[tilespmem:s22+$0xFFFFFFD0] =	vst v2;
	v1 =	vadd.f32 v1, v9;
	v2 =	vld [tilespmem:s22+$0xFFFFFFF0]  }
0x9e: {  	v9 =	vmax.f32 v8, $0.0e+00;
	v8 =	vld [tilespmem:s11+$0xFFFFFFE0]  }
0x9f: {  	[tilespmem:s22+$0x50] =	vst v9;
	v9 =	vmax.f32 v1, $0.0e+00;
	v1 =	vld [tilespmem:s22+$0x70]  }
0xa0: {  	[tilespmem:s22+$0xFFFFFF50] =	vst v9;
	v9 =	vld [tilespmem:s11+$0x60];
	v7 =	vadd.f32 v11, v7  }
0xa1: {  	v10 =	vld [tilespmem:s11+$0xFFFFFF60]  }
0xa2: {  	s13 =	simm.s32 $0x0;
	s20 =	simm.s32 $0x4300;
	s5 =	simm.s32 $0x8100;
	v11 =	vmax.f32 v7, $0.0e+00;
	v7 =	vld [tilespmem:s22+$0xF0]  }
.LBB2_6:
0xa3: {  	v12 =	vld [tilespmem:s20+$0x80];
	v5 =	vadd.f32 v8, v5;
	[tilespmem:s22+$0xE0] =	vst v11  }
0xa4: {  	s5 =	sadd.s32 $0x200, s5;
	v8 =	vld [tilespmem:s11+$0xF0]  }
0xa5: {  	s13 =	sadd.s32 $0x4, s13;
	v11 =	vld [tilespmem:s5+$0x80];
	v5 =	vmax.f32 v5, $0.0e+00;
	v6 =	vadd.f32 v9, v6  }
0xa6: {  	p3 =	slt.u32 s13, $0x3C;
	v9 =	vld [tilespmem:s5+$0xFFFFFF00];
	v4 =	vadd.f32 v10, v4;
	[tilespmem:s22+$0xFFFFFFE0] =	vst v5  }
0xa7: {  	v5 =	vld [tilespmem:s20+$0xFFFFFF80];
	v6 =	vmax.f32 v6, $0.0e+00  }
0xa8: {  	v10 =	vld [tilespmem:s5+$0xFFFFFF80];
	v4 =	vmax.f32 v4, $0.0e+00;
	[tilespmem:s22+$0x60] =	vst v6  }
0xa9: {  	v6 =	vld [tilespmem:s20+$0x0];
	[tilespmem:s22+$0xFFFFFF60] =	vst v4;
	v4 =	vadd.f32 v8, v7  }
0xaa: {  	v7 =	vld [tilespmem:s5+$0x0];
	v8 =	vadd.f32 v11, v12  }
0xab: {  	v11 =	vld [tilespmem:s20+$0xFFFFFF00];
	v4 =	vmax.f32 v4, $0.0e+00  }
0xac: {  	v12 =	vld [tilespmem:s20+$0xFFFFFF10];
	v8 =	vmax.f32 v8, $0.0e+00;
	[tilespmem:s22+$0xF0] =	vst v4  }
0xad: {  	v4 =	vadd.f32 v10, v5;
	[tilespmem:s20+$0x80] =	vst v8;
	v5 =	vld [tilespmem:s20+$0x90]  }
0xae: {  	v8 =	vld [tilespmem:s5+$0x90]  }
0xaf: {  	v4 =	vmax.f32 v4, $0.0e+00;
	v10 =	vld [tilespmem:s20+$0xFFFFFF90];
	v6 =	vadd.f32 v7, v6  }
0xb0: {  	v7 =	vadd.f32 v9, v11;
	[tilespmem:s20+$0xFFFFFF80] =	vst v4;
	v4 =	vld [tilespmem:s20+$0x10]  }
0xb1: {  	v9 =	vld [tilespmem:s5+$0xFFFFFF90];
	v6 =	vmax.f32 v6, $0.0e+00  }
0xb2: {  	v7 =	vmax.f32 v7, $0.0e+00;
	v11 =	vld [tilespmem:s20+$0xFFFFFF20];
	[tilespmem:s20+$0x0] =	vst v6  }
0xb3: {  	[tilespmem:s20+$0xFFFFFF00] =	vst v7;
	v6 =	vld [tilespmem:s5+$0x10];
	v5 =	vadd.f32 v8, v5  }
0xb4: {  	v7 =	vld [tilespmem:s5+$0xFFFFFF10]  }
0xb5: {  	v8 =	vld [tilespmem:s20+$0xFFFFFFA0];
	v5 =	vmax.f32 v5, $0.0e+00  }
0xb6: {  	v9 =	vadd.f32 v9, v10;
	[tilespmem:s20+$0x90] =	vst v5;
	v5 =	vld [tilespmem:s20+$0xA0]  }
0xb7: {  	v10 =	vld [tilespmem:s5+$0xA0]  }
0xb8: {  	v9 =	vmax.f32 v9, $0.0e+00;
	v4 =	vadd.f32 v6, v4;
	v6 =	vld [tilespmem:s20+$0x20]  }
0xb9: {  	v7 =	vadd.f32 v7, v12;
	v12 =	vld [tilespmem:s20+$0xFFFFFF30];
	[tilespmem:s20+$0xFFFFFF90] =	vst v9  }
0xba: {  	v9 =	vld [tilespmem:s5+$0xFFFFFFA0];
	v4 =	vmax.f32 v4, $0.0e+00  }
0xbb: {  	v7 =	vmax.f32 v7, $0.0e+00;
	v13 =	vld [tilespmem:s20+$0xFFFFFFB0];
	[tilespmem:s20+$0x10] =	vst v4  }
0xbc: {  	[tilespmem:s20+$0xFFFFFF10] =	vst v7;
	v4 =	vld [tilespmem:s5+$0x20];
	v5 =	vadd.f32 v10, v5  }
0xbd: {  	v7 =	vld [tilespmem:s5+$0xFFFFFF20]  }
0xbe: {  	v10 =	vld [tilespmem:s20+$0x30];
	v5 =	vmax.f32 v5, $0.0e+00  }
0xbf: {  	v8 =	vadd.f32 v9, v8;
	[tilespmem:s20+$0xA0] =	vst v5;
	v5 =	vld [tilespmem:s20+$0xB0]  }
0xc0: {  	v9 =	vld [tilespmem:s5+$0xB0]  }
0xc1: {  	v14 =	vld [tilespmem:s20+$0xFFFFFF40];
	v8 =	vmax.f32 v8, $0.0e+00;
	v4 =	vadd.f32 v4, v6  }
0xc2: {  	v6 =	vadd.f32 v7, v11;
	[tilespmem:s20+$0xFFFFFFA0] =	vst v8;
	v7 =	vld [tilespmem:s20+$0xFFFFFFC0]  }
0xc3: {  	v8 =	vld [tilespmem:s5+$0xFFFFFFB0];
	v4 =	vmax.f32 v4, $0.0e+00  }
0xc4: {  	v6 =	vmax.f32 v6, $0.0e+00;
	[tilespmem:s20+$0x20] =	vst v4;
	v11 =	vld [tilespmem:s20+$0x40]  }
0xc5: {  	[tilespmem:s20+$0xFFFFFF20] =	vst v6;
	v4 =	vld [tilespmem:s5+$0x30];
	v5 =	vadd.f32 v9, v5  }
0xc6: {  	v6 =	vld [tilespmem:s5+$0xFFFFFF30]  }
0xc7: {  	v9 =	vld [tilespmem:s20+$0xFFFFFF50];
	v5 =	vmax.f32 v5, $0.0e+00  }
0xc8: {  	v8 =	vadd.f32 v8, v13;
	[tilespmem:s20+$0xB0] =	vst v5;
	v5 =	vld [tilespmem:s20+$0xC0]  }
0xc9: {  	v13 =	vld [tilespmem:s5+$0xC0]  }
0xca: {  	v8 =	vmax.f32 v8, $0.0e+00;
	v15 =	vld [tilespmem:s20+$0xFFFFFFD0];
	v4 =	vadd.f32 v4, v10  }
0xcb: {  	v6 =	vadd.f32 v6, v12;
	[tilespmem:s20+$0xFFFFFFB0] =	vst v8;
	v8 =	vld [tilespmem:s20+$0x50]  }
0xcc: {  	v10 =	vld [tilespmem:s5+$0xFFFFFFC0];
	v12 =	vmax.f32 v4, $0.0e+00  }
0xcd: {  	v6 =	vmax.f32 v6, $0.0e+00;
	v4 =	vld [tilespmem:s20+$0xFFFFFF60];
	[tilespmem:s20+$0x30] =	vst v12  }
0xce: {  	[tilespmem:s20+$0xFFFFFF30] =	vst v6;
	v6 =	vld [tilespmem:s5+$0x40];
	v12 =	vadd.f32 v13, v5  }
0xcf: {  	v13 =	vld [tilespmem:s5+$0xFFFFFF40]  }
0xd0: {  	v5 =	vld [tilespmem:s20+$0xFFFFFFE0];
	v12 =	vmax.f32 v12, $0.0e+00  }
0xd1: {  	v7 =	vadd.f32 v10, v7;
	[tilespmem:s20+$0xC0] =	vst v12;
	v10 =	vld [tilespmem:s20+$0xD0]  }
0xd2: {  	v12 =	vld [tilespmem:s5+$0xD0]  }
0xd3: {  	v7 =	vmax.f32 v7, $0.0e+00;
	v11 =	vadd.f32 v6, v11;
	v6 =	vld [tilespmem:s20+$0x60]  }
0xd4: {  	v13 =	vadd.f32 v13, v14;
	[tilespmem:s20+$0xFFFFFFC0] =	vst v7;
	v7 =	vld [tilespmem:s11+$0xFFFFFF70]  }
0xd5: {  	v14 =	vld [tilespmem:s5+$0xFFFFFFD0];
	v11 =	vmax.f32 v11, $0.0e+00  }
0xd6: {  	v13 =	vmax.f32 v13, $0.0e+00;
	[tilespmem:s20+$0x40] =	vst v11;
	v11 =	vld [tilespmem:s11+$0xFFFFFFF0]  }
0xd7: {  	[tilespmem:s20+$0xFFFFFF40] =	vst v13;
	v13 =	vld [tilespmem:s5+$0x50];
	v10 =	vadd.f32 v12, v10  }
0xd8: {  	v12 =	vld [tilespmem:s5+$0xFFFFFF50]  }
0xd9: {  	v10 =	vmax.f32 v10, $0.0e+00;
	v3 =	vadd.f32 v7, v3;
	v7 =	vld [tilespmem:s11+$0x70];
	s11 =	smov.u32 s5  }
0xda: {  	v14 =	vadd.f32 v14, v15;
	[tilespmem:s20+$0xD0] =	vst v10;
	v10 =	vld [tilespmem:s20+$0xE0]  }
0xdb: {  	v15 =	vld [tilespmem:s5+$0xE0];
	v16 =	vmax.f32 v3, $0.0e+00;
	v11 =	vadd.f32 v11, v2  }
0xdc: {  	v3 =	vld [tilespmem:s20+$0xFFFFFF70];
	v2 =	vmax.f32 v14, $0.0e+00;
	v13 =	vadd.f32 v13, v8;
	[tilespmem:s22+$0xFFFFFF70] =	vst v16  }
0xdd: {  	v9 =	vadd.f32 v12, v9;
	[tilespmem:s20+$0xFFFFFFD0] =	vst v2;
	v2 =	vld [tilespmem:s20+$0xFFFFFFF0];
	v11 =	vmax.f32 v11, $0.0e+00  }
.Ltmp1:
0xde: {  	v8 =	vld [tilespmem:s5+$0xFFFFFFE0];
	v12 =	vmax.f32 v13, $0.0e+00;
	[tilespmem:s22+$0xFFFFFFF0] =	vst v11;
	v7 =	vadd.f32 v7, v1;
	(pc) =	sbr.rel @p3 .LBB2_6-.Ltmp1, $4  }
0xdf: {  	v9 =	vmax.f32 v9, $0.0e+00;
	[tilespmem:s20+$0x50] =	vst v12;
	v1 =	vld [tilespmem:s20+$0x70]  }
0xe0: {  	[tilespmem:s20+$0xFFFFFF50] =	vst v9;
	v9 =	vld [tilespmem:s5+$0x60];
	v11 =	vadd.f32 v15, v10;
	v7 =	vmax.f32 v7, $0.0e+00  }
0xe1: {  	v10 =	vld [tilespmem:s5+$0xFFFFFF60];
	[tilespmem:s22+$0x70] =	vst v7;
	s22 =	smov.u32 s20  }
0xe2: {  	s20 =	sadd.s32 $0x200, s20;
	v11 =	vmax.f32 v11, $0.0e+00;
	v7 =	vld [tilespmem:s22+$0xF0]  }
0xe3: {  	_ = 	snop  }
0xe4: {  	v5 =	vadd.f32 v8, v5  }
0xe5: {  	v6 =	vadd.f32 v9, v6  }
0xe6: {  	[tilespmem:s22+$0xE0] =	vst v11;
	v5 =	vmax.f32 v5, $0.0e+00;
	v4 =	vadd.f32 v10, v4  }
0xe7: {  	v58 =	vld [tilespmem:s11+$0xF0];
	[tilespmem:s22+$0xFFFFFFE0] =	vst v5;
	v59 =	vmax.f32 v6, $0.0e+00  }
0xe8: {  	v61 =	vld [tilespmem:s11+$0xFFFFFFF0];
	v4 =	vmax.f32 v4, $0.0e+00;
	[tilespmem:s22+$0x60] =	vst v59  }
0xe9: {  	[tilespmem:s22+$0xFFFFFF60] =	vst v4;
	v62 =	vld [tilespmem:s11+$0x70]  }
0xea: {  	v60 =	vld [tilespmem:s11+$0xFFFFFF70];
	_ =	sdelay $0x1  }
0xeb: {  	v7 =	vadd.f32 v58, v7  }
0xec: {  	v2 =	vadd.f32 v61, v2  }
0xed: {  	s5 =	sshll.u32 s19, $0xB;
	v63 =	vmax.f32 v7, $0.0e+00;
	v1 =	vadd.f32 v62, v1  }
0xee: {  	s5 =	sadd.s32 $0xFFFFF800, s5;
	[tilespmem:s22+$0xF0] =	vst v63;
	v2 =	vmax.f32 v2, $0.0e+00;
	v3 =	vadd.f32 v60, v3  }
0xef: {  	s5 =	sand.u32 $0x7800, s5;
	[tilespmem:s22+$0xFFFFFFF0] =	vst v2;
	v1 =	vmax.f32 v1, $0.0e+00  }
0xf0: {  	s5 =	sshrl.u32 s5, $0x2;
	v3 =	vmax.f32 v3, $0.0e+00;
	[tilespmem:s22+$0x70] =	vst v1  }
0xf1: {  	s5 =	sor.u32 $0x100, s5;
	[tilespmem:s22+$0xFFFFFF70] =	vst v3  }
0xf2: {  	[spmem:s1] =	stream.indirect.scatter.add.f32 [tilespmem:s26], [sflag:$0x6], $0x80, s5, s23, $0xb8;
	[tilespmem:$0x1E0F8] =	vst v63  }
0xf3: {  	_ = 	snop  }
0xf4: {  	[spmem:s4] =	stream.indirect.scatter.add.f32 [tilespmem:s31], [sflag:$0x6], $0x1, s5, s23, $0xb8;
	[tilespmem:$0x1E0F8] =	vst v63  }
0xf5: {  	_ =	swait.ge [sflag:s12], $0x2000  }
.Ltmp2:
0xf6: {  	[sflag:s12] =	ssyncset.done $0x0;
	(pc) =	sbr.rel .LBB2_8-.Ltmp2, $4  }
0xf7: {  	[sflag:s12] =	ssyncadd.s32 $0xFFFFE000  }
0xf8: {  	_ =	swait.ge [sflag:s12], $0x40  }
0xf9: {  	[sflag:s12] =	ssyncset.done $0x0  }
0xfa: {  	[sflag:s12] =	ssyncadd.s32 $0xFFFFFFC0  }
.LBB2_4:
0xfb: {  	s18 =	sadd.s32 s5, s16  }
0xfc: {  	[tilespmem:s24], [sflag:$0x1] =	stream.indirect.gather [hbm4b:s6+s23], $0x80, s18, s23, $0xb8;
	[tilespmem:$0x1E0F8] =	vst v63  }
0xfd: {  	s5 =	sadd.s32 $0x80, s18  }
0xfe: {  	[tilespmem:s25], [sflag:$0x3] =	stream.indirect.gather [spmem:s3], $0x80, s5, s23, $0xb8;
	[tilespmem:$0x1E0F8] =	vst v63  }
.LBB2_8:
0xff: {  	s5 =	sadd.s32 $0x200, s18  }
0x100: {  	[tilespmem:s26], [sflag:$0x2] =	stream.indirect.gather [hbm4b:s6+s23], $0x80, s5, s23, $0xb8;
	[tilespmem:$0x1E0F8] =	vst v63  }
0x101: {  	s22 =	sadd.s32 $0x280, s18  }
0x102: {  	[tilespmem:s28], [sflag:$0x4] =	stream.indirect.gather [spmem:s3], $0x80, s22, s23, $0xb8;
	[tilespmem:$0x1E0F8] =	vst v63  }
0x103: {  	_ =	swait.ge [sflag:s29], $0x2000  }
0x104: {  	[sflag:s29] =	ssyncset.done $0x0  }
0x105: {  	[sflag:s29] =	ssyncadd.s32 $0xFFFFE000  }
0x106: {  	_ =	swait.ge [sflag:s30], $0x2000  }
0x107: {  	[sflag:s30] =	ssyncset.done $0x0  }
0x108: {  	s18 =	simm.s32 $0x2100;
	[sflag:s30] =	ssyncadd.s32 $0xFFFFE000  }
0x109: {  	s11 =	simm.s32 $0x6100;
	v1 =	vld [tilespmem:s18+$0x80]  }
0x10a: {  	v2 =	vld [tilespmem:s11+$0x80]  }
0x10b: {  	v3 =	vld [tilespmem:s11+$0xFFFFFF00]  }
0x10c: {  	v4 =	vld [tilespmem:s18+$0xFFFFFF80]  }
0x10d: {  	v5 =	vld [tilespmem:s11+$0xFFFFFF80]  }
0x10e: {  	v6 =	vld [tilespmem:s11+$0x0]  }
0x10f: {  	v1 =	vadd.f32 v2, v1;
	v2 =	vld [tilespmem:s18+$0x0]  }
0x110: {  	v7 =	vld [tilespmem:s18+$0xFFFFFF00]  }
0x111: {  	v1 =	vmax.f32 v1, $0.0e+00  }
0x112: {  	v4 =	vadd.f32 v5, v4;
	[tilespmem:s18+$0x80] =	vst v1;
	v1 =	vld [tilespmem:s18+$0x90]  }
0x113: {  	v8 =	vld [tilespmem:s11+$0x90]  }
0x114: {  	v9 =	vld [tilespmem:s18+$0xFFFFFF90];
	v4 =	vmax.f32 v4, $0.0e+00;
	v2 =	vadd.f32 v6, v2  }
0x115: {  	v5 =	vld [tilespmem:s18+$0xFFFFFF10];
	v3 =	vadd.f32 v3, v7;
	[tilespmem:s18+$0xFFFFFF80] =	vst v4  }
0x116: {  	v6 =	vld [tilespmem:s11+$0xFFFFFF90];
	v2 =	vmax.f32 v2, $0.0e+00  }
0x117: {  	v3 =	vmax.f32 v3, $0.0e+00;
	v4 =	vld [tilespmem:s18+$0x10];
	[tilespmem:s18+$0x0] =	vst v2  }
0x118: {  	[tilespmem:s18+$0xFFFFFF00] =	vst v3;
	v1 =	vadd.f32 v8, v1;
	v2 =	vld [tilespmem:s11+$0x10]  }
0x119: {  	v3 =	vld [tilespmem:s11+$0xFFFFFF10]  }
0x11a: {  	v1 =	vmax.f32 v1, $0.0e+00  }
0x11b: {  	v6 =	vadd.f32 v6, v9;
	[tilespmem:s18+$0x90] =	vst v1;
	v1 =	vld [tilespmem:s18+$0xA0]  }
0x11c: {  	v8 =	vld [tilespmem:s11+$0xA0]  }
0x11d: {  	v7 =	vld [tilespmem:s18+$0xFFFFFF20];
	v6 =	vmax.f32 v6, $0.0e+00;
	v2 =	vadd.f32 v2, v4  }
0x11e: {  	v3 =	vadd.f32 v3, v5;
	v9 =	vld [tilespmem:s18+$0xFFFFFFA0];
	[tilespmem:s18+$0xFFFFFF90] =	vst v6  }
0x11f: {  	v5 =	vld [tilespmem:s11+$0xFFFFFFA0];
	v2 =	vmax.f32 v2, $0.0e+00  }
0x120: {  	v3 =	vmax.f32 v3, $0.0e+00;
	v4 =	vld [tilespmem:s18+$0x20];
	[tilespmem:s18+$0x10] =	vst v2  }
0x121: {  	[tilespmem:s18+$0xFFFFFF10] =	vst v3;
	v1 =	vadd.f32 v8, v1;
	v2 =	vld [tilespmem:s11+$0x20]  }
0x122: {  	v3 =	vld [tilespmem:s11+$0xFFFFFF20]  }
0x123: {  	v1 =	vmax.f32 v1, $0.0e+00  }
0x124: {  	v5 =	vadd.f32 v5, v9;
	[tilespmem:s18+$0xA0] =	vst v1;
	v1 =	vld [tilespmem:s18+$0xB0]  }
0x125: {  	v8 =	vld [tilespmem:s11+$0xB0]  }
0x126: {  	v10 =	vld [tilespmem:s18+$0x30];
	v5 =	vmax.f32 v5, $0.0e+00;
	v2 =	vadd.f32 v2, v4  }
0x127: {  	v3 =	vadd.f32 v3, v7;
	v9 =	vld [tilespmem:s18+$0xFFFFFFB0];
	[tilespmem:s18+$0xFFFFFFA0] =	vst v5  }
0x128: {  	v4 =	vld [tilespmem:s11+$0xFFFFFFB0];
	v2 =	vmax.f32 v2, $0.0e+00  }
0x129: {  	v6 =	vld [tilespmem:s18+$0xFFFFFF30];
	[tilespmem:s18+$0x20] =	vst v2;
	v2 =	vmax.f32 v3, $0.0e+00  }
0x12a: {  	v1 =	vadd.f32 v8, v1;
	[tilespmem:s18+$0xFFFFFF20] =	vst v2;
	v2 =	vld [tilespmem:s11+$0x30]  }
0x12b: {  	v7 =	vld [tilespmem:s11+$0xFFFFFF30]  }
0x12c: {  	v11 =	vld [tilespmem:s18+$0xFFFFFF40];
	v1 =	vmax.f32 v1, $0.0e+00  }
0x12d: {  	v4 =	vadd.f32 v4, v9;
	[tilespmem:s18+$0xB0] =	vst v1;
	v1 =	vld [tilespmem:s18+$0xC0]  }
0x12e: {  	v8 =	vld [tilespmem:s11+$0xC0]  }
0x12f: {  	v12 =	vld [tilespmem:s18+$0xFFFFFFD0];
	v4 =	vmax.f32 v4, $0.0e+00;
	v2 =	vadd.f32 v2, v10  }
0x130: {  	v5 =	vld [tilespmem:s18+$0xFFFFFFC0];
	[tilespmem:s18+$0xFFFFFFB0] =	vst v4;
	v6 =	vadd.f32 v7, v6  }
0x131: {  	v7 =	vld [tilespmem:s11+$0xFFFFFFC0];
	v2 =	vmax.f32 v2, $0.0e+00  }
0x132: {  	v3 =	vld [tilespmem:s18+$0x40];
	[tilespmem:s18+$0x30] =	vst v2;
	v2 =	vmax.f32 v6, $0.0e+00  }
0x133: {  	v1 =	vadd.f32 v8, v1;
	v6 =	vld [tilespmem:s11+$0x40];
	[tilespmem:s18+$0xFFFFFF30] =	vst v2  }
0x134: {  	v2 =	vld [tilespmem:s11+$0xFFFFFF40]  }
0x135: {  	v9 =	vld [tilespmem:s18+$0xFFFFFF50];
	v1 =	vmax.f32 v1, $0.0e+00  }
0x136: {  	[tilespmem:s18+$0xC0] =	vst v1;
	v1 =	vadd.f32 v7, v5;
	v7 =	vld [tilespmem:s18+$0xD0]  }
0x137: {  	v8 =	vld [tilespmem:s11+$0xD0]  }
0x138: {  	v4 =	vld [tilespmem:s18+$0xFFFFFF60];
	v1 =	vmax.f32 v1, $0.0e+00;
	v3 =	vadd.f32 v6, v3  }
0x139: {  	v10 =	vld [tilespmem:s18+$0x50];
	[tilespmem:s18+$0xFFFFFFC0] =	vst v1;
	v1 =	vadd.f32 v2, v11  }
0x13a: {  	v2 =	vld [tilespmem:s11+$0xFFFFFFD0];
	v3 =	vmax.f32 v3, $0.0e+00  }
0x13b: {  	v5 =	vld [tilespmem:s18+$0xFFFFFFE0];
	[tilespmem:s18+$0x40] =	vst v3;
	v1 =	vmax.f32 v1, $0.0e+00  }
0x13c: {  	v3 =	vld [tilespmem:s11+$0x50];
	v7 =	vadd.f32 v8, v7;
	[tilespmem:s18+$0xFFFFFF40] =	vst v1  }
0x13d: {  	v1 =	vld [tilespmem:s11+$0xFFFFFF50]  }
0x13e: {  	v6 =	vld [tilespmem:s18+$0x60];
	v7 =	vmax.f32 v7, $0.0e+00  }
0x13f: {  	v2 =	vadd.f32 v2, v12;
	[tilespmem:s18+$0xD0] =	vst v7;
	v7 =	vld [tilespmem:s18+$0xE0]  }
0x140: {  	v11 =	vld [tilespmem:s11+$0xE0]  }
0x141: {  	v2 =	vmax.f32 v2, $0.0e+00;
	v8 =	vadd.f32 v3, v10;
	v3 =	vld [tilespmem:s18+$0xFFFFFF70]  }
0x142: {  	[tilespmem:s18+$0xFFFFFFD0] =	vst v2;
	v1 =	vadd.f32 v1, v9;
	v2 =	vld [tilespmem:s18+$0xFFFFFFF0]  }
0x143: {  	v9 =	vmax.f32 v8, $0.0e+00;
	v8 =	vld [tilespmem:s11+$0xFFFFFFE0]  }
0x144: {  	[tilespmem:s18+$0x50] =	vst v9;
	v9 =	vmax.f32 v1, $0.0e+00;
	v1 =	vld [tilespmem:s18+$0x70]  }
0x145: {  	[tilespmem:s18+$0xFFFFFF50] =	vst v9;
	v9 =	vld [tilespmem:s11+$0x60];
	v7 =	vadd.f32 v11, v7  }
0x146: {  	v10 =	vld [tilespmem:s11+$0xFFFFFF60]  }
0x147: {  	s13 =	simm.s32 $0x0;
	s19 =	simm.s32 $0x2300;
	s5 =	simm.s32 $0x6100;
	v11 =	vmax.f32 v7, $0.0e+00;
	v7 =	vld [tilespmem:s18+$0xF0]  }
.LBB2_9:
0x148: {  	v12 =	vld [tilespmem:s19+$0x80];
	v5 =	vadd.f32 v8, v5;
	[tilespmem:s18+$0xE0] =	vst v11  }
0x149: {  	s5 =	sadd.s32 $0x200, s5;
	v8 =	vld [tilespmem:s11+$0xF0]  }
0x14a: {  	s13 =	sadd.s32 $0x4, s13;
	v11 =	vld [tilespmem:s5+$0x80];
	v5 =	vmax.f32 v5, $0.0e+00;
	v6 =	vadd.f32 v9, v6  }
0x14b: {  	p3 =	slt.u32 s13, $0x3C;
	v9 =	vld [tilespmem:s5+$0xFFFFFF00];
	v4 =	vadd.f32 v10, v4;
	[tilespmem:s18+$0xFFFFFFE0] =	vst v5  }
0x14c: {  	v5 =	vld [tilespmem:s19+$0xFFFFFF80];
	v6 =	vmax.f32 v6, $0.0e+00  }
0x14d: {  	v10 =	vld [tilespmem:s5+$0xFFFFFF80];
	v4 =	vmax.f32 v4, $0.0e+00;
	[tilespmem:s18+$0x60] =	vst v6  }
0x14e: {  	v6 =	vld [tilespmem:s19+$0x0];
	[tilespmem:s18+$0xFFFFFF60] =	vst v4;
	v4 =	vadd.f32 v8, v7  }
0x14f: {  	v7 =	vld [tilespmem:s5+$0x0];
	v8 =	vadd.f32 v11, v12  }
0x150: {  	v11 =	vld [tilespmem:s19+$0xFFFFFF00];
	v4 =	vmax.f32 v4, $0.0e+00  }
0x151: {  	v12 =	vld [tilespmem:s19+$0xFFFFFF10];
	v8 =	vmax.f32 v8, $0.0e+00;
	[tilespmem:s18+$0xF0] =	vst v4  }
0x152: {  	v4 =	vadd.f32 v10, v5;
	[tilespmem:s19+$0x80] =	vst v8;
	v5 =	vld [tilespmem:s19+$0x90]  }
0x153: {  	v8 =	vld [tilespmem:s5+$0x90]  }
0x154: {  	v4 =	vmax.f32 v4, $0.0e+00;
	v10 =	vld [tilespmem:s19+$0xFFFFFF90];
	v6 =	vadd.f32 v7, v6  }
0x155: {  	v7 =	vadd.f32 v9, v11;
	[tilespmem:s19+$0xFFFFFF80] =	vst v4;
	v4 =	vld [tilespmem:s19+$0x10]  }
0x156: {  	v9 =	vld [tilespmem:s5+$0xFFFFFF90];
	v6 =	vmax.f32 v6, $0.0e+00  }
0x157: {  	v7 =	vmax.f32 v7, $0.0e+00;
	v11 =	vld [tilespmem:s19+$0xFFFFFF20];
	[tilespmem:s19+$0x0] =	vst v6  }
0x158: {  	[tilespmem:s19+$0xFFFFFF00] =	vst v7;
	v6 =	vld [tilespmem:s5+$0x10];
	v5 =	vadd.f32 v8, v5  }
0x159: {  	v7 =	vld [tilespmem:s5+$0xFFFFFF10]  }
0x15a: {  	v8 =	vld [tilespmem:s19+$0xFFFFFFA0];
	v5 =	vmax.f32 v5, $0.0e+00  }
0x15b: {  	v9 =	vadd.f32 v9, v10;
	[tilespmem:s19+$0x90] =	vst v5;
	v5 =	vld [tilespmem:s19+$0xA0]  }
0x15c: {  	v10 =	vld [tilespmem:s5+$0xA0]  }
0x15d: {  	v9 =	vmax.f32 v9, $0.0e+00;
	v4 =	vadd.f32 v6, v4;
	v6 =	vld [tilespmem:s19+$0x20]  }
0x15e: {  	v7 =	vadd.f32 v7, v12;
	v12 =	vld [tilespmem:s19+$0xFFFFFF30];
	[tilespmem:s19+$0xFFFFFF90] =	vst v9  }
0x15f: {  	v9 =	vld [tilespmem:s5+$0xFFFFFFA0];
	v4 =	vmax.f32 v4, $0.0e+00  }
0x160: {  	v7 =	vmax.f32 v7, $0.0e+00;
	v13 =	vld [tilespmem:s19+$0xFFFFFFB0];
	[tilespmem:s19+$0x10] =	vst v4  }
0x161: {  	[tilespmem:s19+$0xFFFFFF10] =	vst v7;
	v4 =	vld [tilespmem:s5+$0x20];
	v5 =	vadd.f32 v10, v5  }
0x162: {  	v7 =	vld [tilespmem:s5+$0xFFFFFF20]  }
0x163: {  	v10 =	vld [tilespmem:s19+$0x30];
	v5 =	vmax.f32 v5, $0.0e+00  }
0x164: {  	v8 =	vadd.f32 v9, v8;
	[tilespmem:s19+$0xA0] =	vst v5;
	v5 =	vld [tilespmem:s19+$0xB0]  }
0x165: {  	v9 =	vld [tilespmem:s5+$0xB0]  }
0x166: {  	v14 =	vld [tilespmem:s19+$0xFFFFFF40];
	v8 =	vmax.f32 v8, $0.0e+00;
	v4 =	vadd.f32 v4, v6  }
0x167: {  	v6 =	vadd.f32 v7, v11;
	[tilespmem:s19+$0xFFFFFFA0] =	vst v8;
	v7 =	vld [tilespmem:s19+$0xFFFFFFC0]  }
0x168: {  	v8 =	vld [tilespmem:s5+$0xFFFFFFB0];
	v4 =	vmax.f32 v4, $0.0e+00  }
0x169: {  	v6 =	vmax.f32 v6, $0.0e+00;
	[tilespmem:s19+$0x20] =	vst v4;
	v11 =	vld [tilespmem:s19+$0x40]  }
0x16a: {  	[tilespmem:s19+$0xFFFFFF20] =	vst v6;
	v4 =	vld [tilespmem:s5+$0x30];
	v5 =	vadd.f32 v9, v5  }
0x16b: {  	v6 =	vld [tilespmem:s5+$0xFFFFFF30]  }
0x16c: {  	v9 =	vld [tilespmem:s19+$0xFFFFFF50];
	v5 =	vmax.f32 v5, $0.0e+00  }
0x16d: {  	v8 =	vadd.f32 v8, v13;
	[tilespmem:s19+$0xB0] =	vst v5;
	v5 =	vld [tilespmem:s19+$0xC0]  }
0x16e: {  	v13 =	vld [tilespmem:s5+$0xC0]  }
0x16f: {  	v8 =	vmax.f32 v8, $0.0e+00;
	v15 =	vld [tilespmem:s19+$0xFFFFFFD0];
	v4 =	vadd.f32 v4, v10  }
0x170: {  	v6 =	vadd.f32 v6, v12;
	[tilespmem:s19+$0xFFFFFFB0] =	vst v8;
	v8 =	vld [tilespmem:s19+$0x50]  }
0x171: {  	v10 =	vld [tilespmem:s5+$0xFFFFFFC0];
	v12 =	vmax.f32 v4, $0.0e+00  }
0x172: {  	v6 =	vmax.f32 v6, $0.0e+00;
	v4 =	vld [tilespmem:s19+$0xFFFFFF60];
	[tilespmem:s19+$0x30] =	vst v12  }
0x173: {  	[tilespmem:s19+$0xFFFFFF30] =	vst v6;
	v6 =	vld [tilespmem:s5+$0x40];
	v12 =	vadd.f32 v13, v5  }
0x174: {  	v13 =	vld [tilespmem:s5+$0xFFFFFF40]  }
0x175: {  	v5 =	vld [tilespmem:s19+$0xFFFFFFE0];
	v12 =	vmax.f32 v12, $0.0e+00  }
0x176: {  	v7 =	vadd.f32 v10, v7;
	[tilespmem:s19+$0xC0] =	vst v12;
	v10 =	vld [tilespmem:s19+$0xD0]  }
0x177: {  	v12 =	vld [tilespmem:s5+$0xD0]  }
0x178: {  	v7 =	vmax.f32 v7, $0.0e+00;
	v11 =	vadd.f32 v6, v11;
	v6 =	vld [tilespmem:s19+$0x60]  }
0x179: {  	v13 =	vadd.f32 v13, v14;
	[tilespmem:s19+$0xFFFFFFC0] =	vst v7;
	v7 =	vld [tilespmem:s11+$0xFFFFFF70]  }
0x17a: {  	v14 =	vld [tilespmem:s5+$0xFFFFFFD0];
	v11 =	vmax.f32 v11, $0.0e+00  }
0x17b: {  	v13 =	vmax.f32 v13, $0.0e+00;
	[tilespmem:s19+$0x40] =	vst v11;
	v11 =	vld [tilespmem:s11+$0xFFFFFFF0]  }
0x17c: {  	[tilespmem:s19+$0xFFFFFF40] =	vst v13;
	v13 =	vld [tilespmem:s5+$0x50];
	v10 =	vadd.f32 v12, v10  }
0x17d: {  	v12 =	vld [tilespmem:s5+$0xFFFFFF50]  }
0x17e: {  	v10 =	vmax.f32 v10, $0.0e+00;
	v3 =	vadd.f32 v7, v3;
	v7 =	vld [tilespmem:s11+$0x70];
	s11 =	smov.u32 s5  }
0x17f: {  	v14 =	vadd.f32 v14, v15;
	[tilespmem:s19+$0xD0] =	vst v10;
	v10 =	vld [tilespmem:s19+$0xE0]  }
0x180: {  	v15 =	vld [tilespmem:s5+$0xE0];
	v16 =	vmax.f32 v3, $0.0e+00;
	v11 =	vadd.f32 v11, v2  }
0x181: {  	v3 =	vld [tilespmem:s19+$0xFFFFFF70];
	v2 =	vmax.f32 v14, $0.0e+00;
	v13 =	vadd.f32 v13, v8;
	[tilespmem:s18+$0xFFFFFF70] =	vst v16  }
0x182: {  	v9 =	vadd.f32 v12, v9;
	[tilespmem:s19+$0xFFFFFFD0] =	vst v2;
	v2 =	vld [tilespmem:s19+$0xFFFFFFF0];
	v11 =	vmax.f32 v11, $0.0e+00  }
.Ltmp3:
0x183: {  	v8 =	vld [tilespmem:s5+$0xFFFFFFE0];
	v12 =	vmax.f32 v13, $0.0e+00;
	[tilespmem:s18+$0xFFFFFFF0] =	vst v11;
	v7 =	vadd.f32 v7, v1;
	(pc) =	sbr.rel @p3 .LBB2_9-.Ltmp3, $4  }
0x184: {  	v9 =	vmax.f32 v9, $0.0e+00;
	[tilespmem:s19+$0x50] =	vst v12;
	v1 =	vld [tilespmem:s19+$0x70]  }
0x185: {  	[tilespmem:s19+$0xFFFFFF50] =	vst v9;
	v9 =	vld [tilespmem:s5+$0x60];
	v11 =	vadd.f32 v15, v10;
	v7 =	vmax.f32 v7, $0.0e+00  }
0x186: {  	v10 =	vld [tilespmem:s5+$0xFFFFFF60];
	[tilespmem:s18+$0x70] =	vst v7;
	s18 =	smov.u32 s19  }
0x187: {  	s19 =	sadd.s32 $0x200, s19;
	v11 =	vmax.f32 v11, $0.0e+00;
	v7 =	vld [tilespmem:s18+$0xF0]  }
0x188: {  	_ = 	snop  }
0x189: {  	v5 =	vadd.f32 v8, v5  }
0x18a: {  	v6 =	vadd.f32 v9, v6  }
0x18b: {  	[tilespmem:s18+$0xE0] =	vst v11;
	v5 =	vmax.f32 v5, $0.0e+00;
	v4 =	vadd.f32 v10, v4  }
0x18c: {  	v58 =	vld [tilespmem:s11+$0xF0];
	[tilespmem:s18+$0xFFFFFFE0] =	vst v5;
	v59 =	vmax.f32 v6, $0.0e+00  }
0x18d: {  	v61 =	vld [tilespmem:s11+$0xFFFFFFF0];
	v4 =	vmax.f32 v4, $0.0e+00;
	[tilespmem:s18+$0x60] =	vst v59  }
0x18e: {  	[tilespmem:s18+$0xFFFFFF60] =	vst v4;
	v62 =	vld [tilespmem:s11+$0x70]  }
0x18f: {  	v60 =	vld [tilespmem:s11+$0xFFFFFF70];
	_ =	sdelay $0x1  }
0x190: {  	v7 =	vadd.f32 v58, v7  }
0x191: {  	v2 =	vadd.f32 v61, v2  }
0x192: {  	v63 =	vmax.f32 v7, $0.0e+00;
	v1 =	vadd.f32 v62, v1  }
0x193: {  	s5 =	sshll.u32 s7, $0xA;
	s7 =	sadd.s32 $0x1, s7;
	[tilespmem:s18+$0xF0] =	vst v63;
	v2 =	vmax.f32 v2, $0.0e+00;
	v3 =	vadd.f32 v60, v3  }
0x194: {  	s5 =	sand.u32 $0x3FFFFC00, s5;
	p3 =	sne.s32 s7, $0x4;
	[tilespmem:s18+$0xFFFFFFF0] =	vst v2;
	v1 =	vmax.f32 v1, $0.0e+00  }
.Ltmp4:
0x195: {  	s5 =	sadd.s32 s5, s16;
	v3 =	vmax.f32 v3, $0.0e+00;
	[tilespmem:s18+$0x70] =	vst v1;
	(pc) =	sbr.rel @p3 .LBB2_3-.Ltmp4, $4  }
0x196: {  	s5 =	sadd.s32 $0x100, s5;
	[tilespmem:s18+$0xFFFFFF70] =	vst v3  }
0x197: {  	[spmem:s1] =	stream.indirect.scatter.add.f32 [tilespmem:s24], [sflag:$0x5], $0x80, s5, s23, $0xb8;
	[tilespmem:$0x1E0F8] =	vst v63  }
0x198: {  	_ = 	snop  }
0x199: {  	[spmem:s4] =	stream.indirect.scatter.add.f32 [tilespmem:s31], [sflag:$0x5], $0x1, s5, s23, $0xb8;
	[tilespmem:$0x1E0F8] =	vst v63  }
0x19a: {  	s14 =	sadd.s32 $0x1, s14  }
0x19b: {  	p3 =	sne.s32 s14, $0x14  }
.Ltmp5:
0x19c: {  	_ = 	snop;
	(pc) =	sbr.rel @p3 .LBB2_2-.Ltmp5, $1  }
0x19d: {  	_ =	sdelay $0x3  }
0x19e: {  	_ =	swait.ge [sflag:s0], $0x2000  }
0x19f: {  	[sflag:s0] =	ssyncset.done $0x0  }
0x1a0: {  	[sflag:s0] =	ssyncadd.s32 $0xFFFFE000  }
0x1a1: {  	_ =	swait.ge [sflag:s2], $0x2000  }
0x1a2: {  	[sflag:s2] =	ssyncset.done $0x0  }
0x1a3: {  	s7 =	simm.s32 $0x4100;
	[sflag:s2] =	ssyncadd.s32 $0xFFFFE000  }
0x1a4: {  	s11 =	simm.s32 $0x8100;
	v1 =	vld [tilespmem:s7+$0x80]  }
0x1a5: {  	v2 =	vld [tilespmem:s11+$0x80]  }
0x1a6: {  	v3 =	vld [tilespmem:s11+$0xFFFFFF00]  }
0x1a7: {  	v4 =	vld [tilespmem:s7+$0xFFFFFF80]  }
0x1a8: {  	v5 =	vld [tilespmem:s11+$0xFFFFFF80]  }
0x1a9: {  	v6 =	vld [tilespmem:s11+$0x0]  }
0x1aa: {  	v1 =	vadd.f32 v2, v1;
	v2 =	vld [tilespmem:s7+$0x0]  }
0x1ab: {  	v7 =	vld [tilespmem:s7+$0xFFFFFF00]  }
0x1ac: {  	v1 =	vmax.f32 v1, $0.0e+00  }
0x1ad: {  	v4 =	vadd.f32 v5, v4;
	[tilespmem:s7+$0x80] =	vst v1;
	v1 =	vld [tilespmem:s7+$0x90]  }
0x1ae: {  	v8 =	vld [tilespmem:s11+$0x90]  }
0x1af: {  	v9 =	vld [tilespmem:s7+$0xFFFFFF90];
	v4 =	vmax.f32 v4, $0.0e+00;
	v2 =	vadd.f32 v6, v2  }
0x1b0: {  	v5 =	vld [tilespmem:s7+$0xFFFFFF10];
	v3 =	vadd.f32 v3, v7;
	[tilespmem:s7+$0xFFFFFF80] =	vst v4  }
0x1b1: {  	v6 =	vld [tilespmem:s11+$0xFFFFFF90];
	v2 =	vmax.f32 v2, $0.0e+00  }
0x1b2: {  	v3 =	vmax.f32 v3, $0.0e+00;
	v4 =	vld [tilespmem:s7+$0x10];
	[tilespmem:s7+$0x0] =	vst v2  }
0x1b3: {  	[tilespmem:s7+$0xFFFFFF00] =	vst v3;
	v1 =	vadd.f32 v8, v1;
	v2 =	vld [tilespmem:s11+$0x10]  }
0x1b4: {  	v3 =	vld [tilespmem:s11+$0xFFFFFF10]  }
0x1b5: {  	v1 =	vmax.f32 v1, $0.0e+00  }
0x1b6: {  	v6 =	vadd.f32 v6, v9;
	[tilespmem:s7+$0x90] =	vst v1;
	v1 =	vld [tilespmem:s7+$0xA0]  }
0x1b7: {  	v8 =	vld [tilespmem:s11+$0xA0]  }
0x1b8: {  	v7 =	vld [tilespmem:s7+$0xFFFFFF20];
	v6 =	vmax.f32 v6, $0.0e+00;
	v2 =	vadd.f32 v2, v4  }
0x1b9: {  	v3 =	vadd.f32 v3, v5;
	v9 =	vld [tilespmem:s7+$0xFFFFFFA0];
	[tilespmem:s7+$0xFFFFFF90] =	vst v6  }
0x1ba: {  	v5 =	vld [tilespmem:s11+$0xFFFFFFA0];
	v2 =	vmax.f32 v2, $0.0e+00  }
0x1bb: {  	v3 =	vmax.f32 v3, $0.0e+00;
	v4 =	vld [tilespmem:s7+$0x20];
	[tilespmem:s7+$0x10] =	vst v2  }
0x1bc: {  	[tilespmem:s7+$0xFFFFFF10] =	vst v3;
	v1 =	vadd.f32 v8, v1;
	v2 =	vld [tilespmem:s11+$0x20]  }
0x1bd: {  	v3 =	vld [tilespmem:s11+$0xFFFFFF20]  }
0x1be: {  	v1 =	vmax.f32 v1, $0.0e+00  }
0x1bf: {  	v5 =	vadd.f32 v5, v9;
	[tilespmem:s7+$0xA0] =	vst v1;
	v1 =	vld [tilespmem:s7+$0xB0]  }
0x1c0: {  	v8 =	vld [tilespmem:s11+$0xB0]  }
0x1c1: {  	v10 =	vld [tilespmem:s7+$0x30];
	v5 =	vmax.f32 v5, $0.0e+00;
	v2 =	vadd.f32 v2, v4  }
0x1c2: {  	v3 =	vadd.f32 v3, v7;
	v9 =	vld [tilespmem:s7+$0xFFFFFFB0];
	[tilespmem:s7+$0xFFFFFFA0] =	vst v5  }
0x1c3: {  	v4 =	vld [tilespmem:s11+$0xFFFFFFB0];
	v2 =	vmax.f32 v2, $0.0e+00  }
0x1c4: {  	v6 =	vld [tilespmem:s7+$0xFFFFFF30];
	[tilespmem:s7+$0x20] =	vst v2;
	v2 =	vmax.f32 v3, $0.0e+00  }
0x1c5: {  	v1 =	vadd.f32 v8, v1;
	[tilespmem:s7+$0xFFFFFF20] =	vst v2;
	v2 =	vld [tilespmem:s11+$0x30]  }
0x1c6: {  	v7 =	vld [tilespmem:s11+$0xFFFFFF30]  }
0x1c7: {  	v11 =	vld [tilespmem:s7+$0xFFFFFF40];
	v1 =	vmax.f32 v1, $0.0e+00  }
0x1c8: {  	v4 =	vadd.f32 v4, v9;
	[tilespmem:s7+$0xB0] =	vst v1;
	v1 =	vld [tilespmem:s7+$0xC0]  }
0x1c9: {  	v8 =	vld [tilespmem:s11+$0xC0]  }
0x1ca: {  	v12 =	vld [tilespmem:s7+$0xFFFFFFD0];
	v4 =	vmax.f32 v4, $0.0e+00;
	v2 =	vadd.f32 v2, v10  }
0x1cb: {  	v5 =	vld [tilespmem:s7+$0xFFFFFFC0];
	[tilespmem:s7+$0xFFFFFFB0] =	vst v4;
	v6 =	vadd.f32 v7, v6  }
0x1cc: {  	v7 =	vld [tilespmem:s11+$0xFFFFFFC0];
	v2 =	vmax.f32 v2, $0.0e+00  }
0x1cd: {  	v3 =	vld [tilespmem:s7+$0x40];
	[tilespmem:s7+$0x30] =	vst v2;
	v2 =	vmax.f32 v6, $0.0e+00  }
0x1ce: {  	v1 =	vadd.f32 v8, v1;
	v6 =	vld [tilespmem:s11+$0x40];
	[tilespmem:s7+$0xFFFFFF30] =	vst v2  }
0x1cf: {  	v2 =	vld [tilespmem:s11+$0xFFFFFF40]  }
0x1d0: {  	v9 =	vld [tilespmem:s7+$0xFFFFFF50];
	v1 =	vmax.f32 v1, $0.0e+00  }
0x1d1: {  	[tilespmem:s7+$0xC0] =	vst v1;
	v1 =	vadd.f32 v7, v5;
	v7 =	vld [tilespmem:s7+$0xD0]  }
0x1d2: {  	v8 =	vld [tilespmem:s11+$0xD0]  }
0x1d3: {  	v4 =	vld [tilespmem:s7+$0xFFFFFF60];
	v1 =	vmax.f32 v1, $0.0e+00;
	v3 =	vadd.f32 v6, v3  }
0x1d4: {  	v10 =	vld [tilespmem:s7+$0x50];
	[tilespmem:s7+$0xFFFFFFC0] =	vst v1;
	v1 =	vadd.f32 v2, v11  }
0x1d5: {  	v2 =	vld [tilespmem:s11+$0xFFFFFFD0];
	v3 =	vmax.f32 v3, $0.0e+00  }
0x1d6: {  	v5 =	vld [tilespmem:s7+$0xFFFFFFE0];
	[tilespmem:s7+$0x40] =	vst v3;
	v1 =	vmax.f32 v1, $0.0e+00  }
0x1d7: {  	v3 =	vld [tilespmem:s11+$0x50];
	v7 =	vadd.f32 v8, v7;
	[tilespmem:s7+$0xFFFFFF40] =	vst v1  }
0x1d8: {  	v1 =	vld [tilespmem:s11+$0xFFFFFF50]  }
0x1d9: {  	v6 =	vld [tilespmem:s7+$0x60];
	v7 =	vmax.f32 v7, $0.0e+00  }
0x1da: {  	v2 =	vadd.f32 v2, v12;
	[tilespmem:s7+$0xD0] =	vst v7;
	v7 =	vld [tilespmem:s7+$0xE0]  }
0x1db: {  	v11 =	vld [tilespmem:s11+$0xE0]  }
0x1dc: {  	v2 =	vmax.f32 v2, $0.0e+00;
	v8 =	vadd.f32 v3, v10;
	v3 =	vld [tilespmem:s7+$0xFFFFFF70]  }
0x1dd: {  	[tilespmem:s7+$0xFFFFFFD0] =	vst v2;
	v1 =	vadd.f32 v1, v9;
	v2 =	vld [tilespmem:s7+$0xFFFFFFF0]  }
0x1de: {  	v9 =	vmax.f32 v8, $0.0e+00;
	v8 =	vld [tilespmem:s11+$0xFFFFFFE0]  }
0x1df: {  	[tilespmem:s7+$0x50] =	vst v9;
	v9 =	vmax.f32 v1, $0.0e+00;
	v1 =	vld [tilespmem:s7+$0x70]  }
0x1e0: {  	[tilespmem:s7+$0xFFFFFF50] =	vst v9;
	v9 =	vld [tilespmem:s11+$0x60];
	v7 =	vadd.f32 v11, v7  }
0x1e1: {  	v10 =	vld [tilespmem:s11+$0xFFFFFF60]  }
0x1e2: {  	s13 =	simm.s32 $0x0;
	s14 =	simm.s32 $0x4300;
	s5 =	simm.s32 $0x8100;
	v11 =	vmax.f32 v7, $0.0e+00;
	v7 =	vld [tilespmem:s7+$0xF0]  }
.LBB2_13:
0x1e3: {  	v12 =	vld [tilespmem:s14+$0x80];
	v5 =	vadd.f32 v8, v5;
	[tilespmem:s7+$0xE0] =	vst v11  }
0x1e4: {  	s5 =	sadd.s32 $0x200, s5;
	v8 =	vld [tilespmem:s11+$0xF0]  }
0x1e5: {  	s13 =	sadd.s32 $0x4, s13;
	v11 =	vld [tilespmem:s5+$0x80];
	v5 =	vmax.f32 v5, $0.0e+00;
	v6 =	vadd.f32 v9, v6  }
0x1e6: {  	p3 =	slt.u32 s13, $0x3C;
	v9 =	vld [tilespmem:s5+$0xFFFFFF00];
	v4 =	vadd.f32 v10, v4;
	[tilespmem:s7+$0xFFFFFFE0] =	vst v5  }
0x1e7: {  	v5 =	vld [tilespmem:s14+$0xFFFFFF80];
	v6 =	vmax.f32 v6, $0.0e+00  }
0x1e8: {  	v10 =	vld [tilespmem:s5+$0xFFFFFF80];
	v4 =	vmax.f32 v4, $0.0e+00;
	[tilespmem:s7+$0x60] =	vst v6  }
0x1e9: {  	v6 =	vld [tilespmem:s14+$0x0];
	[tilespmem:s7+$0xFFFFFF60] =	vst v4;
	v4 =	vadd.f32 v8, v7  }
0x1ea: {  	v7 =	vld [tilespmem:s5+$0x0];
	v8 =	vadd.f32 v11, v12  }
0x1eb: {  	v11 =	vld [tilespmem:s14+$0xFFFFFF00];
	v4 =	vmax.f32 v4, $0.0e+00  }
0x1ec: {  	v12 =	vld [tilespmem:s14+$0xFFFFFF10];
	v8 =	vmax.f32 v8, $0.0e+00;
	[tilespmem:s7+$0xF0] =	vst v4  }
0x1ed: {  	v4 =	vadd.f32 v10, v5;
	[tilespmem:s14+$0x80] =	vst v8;
	v5 =	vld [tilespmem:s14+$0x90]  }
0x1ee: {  	v8 =	vld [tilespmem:s5+$0x90]  }
0x1ef: {  	v4 =	vmax.f32 v4, $0.0e+00;
	v10 =	vld [tilespmem:s14+$0xFFFFFF90];
	v6 =	vadd.f32 v7, v6  }
0x1f0: {  	v7 =	vadd.f32 v9, v11;
	[tilespmem:s14+$0xFFFFFF80] =	vst v4;
	v4 =	vld [tilespmem:s14+$0x10]  }
0x1f1: {  	v9 =	vld [tilespmem:s5+$0xFFFFFF90];
	v6 =	vmax.f32 v6, $0.0e+00  }
0x1f2: {  	v7 =	vmax.f32 v7, $0.0e+00;
	v11 =	vld [tilespmem:s14+$0xFFFFFF20];
	[tilespmem:s14+$0x0] =	vst v6  }
0x1f3: {  	[tilespmem:s14+$0xFFFFFF00] =	vst v7;
	v6 =	vld [tilespmem:s5+$0x10];
	v5 =	vadd.f32 v8, v5  }
0x1f4: {  	v7 =	vld [tilespmem:s5+$0xFFFFFF10]  }
0x1f5: {  	v8 =	vld [tilespmem:s14+$0xFFFFFFA0];
	v5 =	vmax.f32 v5, $0.0e+00  }
0x1f6: {  	v9 =	vadd.f32 v9, v10;
	[tilespmem:s14+$0x90] =	vst v5;
	v5 =	vld [tilespmem:s14+$0xA0]  }
0x1f7: {  	v10 =	vld [tilespmem:s5+$0xA0]  }
0x1f8: {  	v9 =	vmax.f32 v9, $0.0e+00;
	v4 =	vadd.f32 v6, v4;
	v6 =	vld [tilespmem:s14+$0x20]  }
0x1f9: {  	v7 =	vadd.f32 v7, v12;
	v12 =	vld [tilespmem:s14+$0xFFFFFF30];
	[tilespmem:s14+$0xFFFFFF90] =	vst v9  }
0x1fa: {  	v9 =	vld [tilespmem:s5+$0xFFFFFFA0];
	v4 =	vmax.f32 v4, $0.0e+00  }
0x1fb: {  	v7 =	vmax.f32 v7, $0.0e+00;
	v13 =	vld [tilespmem:s14+$0xFFFFFFB0];
	[tilespmem:s14+$0x10] =	vst v4  }
0x1fc: {  	[tilespmem:s14+$0xFFFFFF10] =	vst v7;
	v4 =	vld [tilespmem:s5+$0x20];
	v5 =	vadd.f32 v10, v5  }
0x1fd: {  	v7 =	vld [tilespmem:s5+$0xFFFFFF20]  }
0x1fe: {  	v10 =	vld [tilespmem:s14+$0x30];
	v5 =	vmax.f32 v5, $0.0e+00  }
0x1ff: {  	v8 =	vadd.f32 v9, v8;
	[tilespmem:s14+$0xA0] =	vst v5;
	v5 =	vld [tilespmem:s14+$0xB0]  }
0x200: {  	v9 =	vld [tilespmem:s5+$0xB0]  }
0x201: {  	v14 =	vld [tilespmem:s14+$0xFFFFFF40];
	v8 =	vmax.f32 v8, $0.0e+00;
	v4 =	vadd.f32 v4, v6  }
0x202: {  	v6 =	vadd.f32 v7, v11;
	[tilespmem:s14+$0xFFFFFFA0] =	vst v8;
	v7 =	vld [tilespmem:s14+$0xFFFFFFC0]  }
0x203: {  	v8 =	vld [tilespmem:s5+$0xFFFFFFB0];
	v4 =	vmax.f32 v4, $0.0e+00  }
0x204: {  	v6 =	vmax.f32 v6, $0.0e+00;
	[tilespmem:s14+$0x20] =	vst v4;
	v11 =	vld [tilespmem:s14+$0x40]  }
0x205: {  	[tilespmem:s14+$0xFFFFFF20] =	vst v6;
	v4 =	vld [tilespmem:s5+$0x30];
	v5 =	vadd.f32 v9, v5  }
0x206: {  	v6 =	vld [tilespmem:s5+$0xFFFFFF30]  }
0x207: {  	v9 =	vld [tilespmem:s14+$0xFFFFFF50];
	v5 =	vmax.f32 v5, $0.0e+00  }
0x208: {  	v8 =	vadd.f32 v8, v13;
	[tilespmem:s14+$0xB0] =	vst v5;
	v5 =	vld [tilespmem:s14+$0xC0]  }
0x209: {  	v13 =	vld [tilespmem:s5+$0xC0]  }
0x20a: {  	v8 =	vmax.f32 v8, $0.0e+00;
	v15 =	vld [tilespmem:s14+$0xFFFFFFD0];
	v4 =	vadd.f32 v4, v10  }
0x20b: {  	v6 =	vadd.f32 v6, v12;
	[tilespmem:s14+$0xFFFFFFB0] =	vst v8;
	v8 =	vld [tilespmem:s14+$0x50]  }
0x20c: {  	v10 =	vld [tilespmem:s5+$0xFFFFFFC0];
	v12 =	vmax.f32 v4, $0.0e+00  }
0x20d: {  	v6 =	vmax.f32 v6, $0.0e+00;
	v4 =	vld [tilespmem:s14+$0xFFFFFF60];
	[tilespmem:s14+$0x30] =	vst v12  }
0x20e: {  	[tilespmem:s14+$0xFFFFFF30] =	vst v6;
	v6 =	vld [tilespmem:s5+$0x40];
	v12 =	vadd.f32 v13, v5  }
0x20f: {  	v13 =	vld [tilespmem:s5+$0xFFFFFF40]  }
0x210: {  	v5 =	vld [tilespmem:s14+$0xFFFFFFE0];
	v12 =	vmax.f32 v12, $0.0e+00  }
0x211: {  	v7 =	vadd.f32 v10, v7;
	[tilespmem:s14+$0xC0] =	vst v12;
	v10 =	vld [tilespmem:s14+$0xD0]  }
0x212: {  	v12 =	vld [tilespmem:s5+$0xD0]  }
0x213: {  	v7 =	vmax.f32 v7, $0.0e+00;
	v11 =	vadd.f32 v6, v11;
	v6 =	vld [tilespmem:s14+$0x60]  }
0x214: {  	v13 =	vadd.f32 v13, v14;
	[tilespmem:s14+$0xFFFFFFC0] =	vst v7;
	v7 =	vld [tilespmem:s11+$0xFFFFFF70]  }
0x215: {  	v14 =	vld [tilespmem:s5+$0xFFFFFFD0];
	v11 =	vmax.f32 v11, $0.0e+00  }
0x216: {  	v13 =	vmax.f32 v13, $0.0e+00;
	[tilespmem:s14+$0x40] =	vst v11;
	v11 =	vld [tilespmem:s11+$0xFFFFFFF0]  }
0x217: {  	[tilespmem:s14+$0xFFFFFF40] =	vst v13;
	v13 =	vld [tilespmem:s5+$0x50];
	v10 =	vadd.f32 v12, v10  }
0x218: {  	v12 =	vld [tilespmem:s5+$0xFFFFFF50]  }
0x219: {  	v10 =	vmax.f32 v10, $0.0e+00;
	v3 =	vadd.f32 v7, v3;
	v7 =	vld [tilespmem:s11+$0x70];
	s11 =	smov.u32 s5  }
0x21a: {  	v14 =	vadd.f32 v14, v15;
	[tilespmem:s14+$0xD0] =	vst v10;
	v10 =	vld [tilespmem:s14+$0xE0]  }
0x21b: {  	v15 =	vld [tilespmem:s5+$0xE0];
	v16 =	vmax.f32 v3, $0.0e+00;
	v11 =	vadd.f32 v11, v2  }
0x21c: {  	v3 =	vld [tilespmem:s14+$0xFFFFFF70];
	v2 =	vmax.f32 v14, $0.0e+00;
	v13 =	vadd.f32 v13, v8;
	[tilespmem:s7+$0xFFFFFF70] =	vst v16  }
0x21d: {  	v9 =	vadd.f32 v12, v9;
	[tilespmem:s14+$0xFFFFFFD0] =	vst v2;
	v2 =	vld [tilespmem:s14+$0xFFFFFFF0];
	v11 =	vmax.f32 v11, $0.0e+00  }
.Ltmp6:
0x21e: {  	v8 =	vld [tilespmem:s5+$0xFFFFFFE0];
	v12 =	vmax.f32 v13, $0.0e+00;
	[tilespmem:s7+$0xFFFFFFF0] =	vst v11;
	v7 =	vadd.f32 v7, v1;
	(pc) =	sbr.rel @p3 .LBB2_13-.Ltmp6, $4  }
0x21f: {  	v9 =	vmax.f32 v9, $0.0e+00;
	[tilespmem:s14+$0x50] =	vst v12;
	v1 =	vld [tilespmem:s14+$0x70]  }
0x220: {  	[tilespmem:s14+$0xFFFFFF50] =	vst v9;
	v9 =	vld [tilespmem:s5+$0x60];
	v11 =	vadd.f32 v15, v10;
	v7 =	vmax.f32 v7, $0.0e+00  }
0x221: {  	v10 =	vld [tilespmem:s5+$0xFFFFFF60];
	[tilespmem:s7+$0x70] =	vst v7;
	s7 =	smov.u32 s14  }
0x222: {  	s14 =	sadd.s32 $0x200, s14;
	v11 =	vmax.f32 v11, $0.0e+00;
	v7 =	vld [tilespmem:s7+$0xF0]  }
0x223: {  	_ = 	snop  }
0x224: {  	v5 =	vadd.f32 v8, v5  }
0x225: {  	v6 =	vadd.f32 v9, v6  }
0x226: {  	[tilespmem:s7+$0xE0] =	vst v11;
	v5 =	vmax.f32 v5, $0.0e+00;
	v4 =	vadd.f32 v10, v4  }
0x227: {  	v58 =	vld [tilespmem:s11+$0xF0];
	[tilespmem:s7+$0xFFFFFFE0] =	vst v5;
	v59 =	vmax.f32 v6, $0.0e+00  }
0x228: {  	v61 =	vld [tilespmem:s11+$0xFFFFFFF0];
	v4 =	vmax.f32 v4, $0.0e+00;
	[tilespmem:s7+$0x60] =	vst v59  }
0x229: {  	[tilespmem:s7+$0xFFFFFF60] =	vst v4;
	v62 =	vld [tilespmem:s11+$0x70]  }
0x22a: {  	v60 =	vld [tilespmem:s11+$0xFFFFFF70];
	_ =	sdelay $0x1  }
0x22b: {  	v7 =	vadd.f32 v58, v7  }
0x22c: {  	v2 =	vadd.f32 v61, v2  }
0x22d: {  	v63 =	vmax.f32 v7, $0.0e+00;
	v1 =	vadd.f32 v62, v1  }
0x22e: {  	[tilespmem:s7+$0xF0] =	vst v63;
	v2 =	vmax.f32 v2, $0.0e+00;
	v3 =	vadd.f32 v60, v3  }
0x22f: {  	[tilespmem:s7+$0xFFFFFFF0] =	vst v2;
	v1 =	vmax.f32 v1, $0.0e+00  }
0x230: {  	v3 =	vmax.f32 v3, $0.0e+00;
	[tilespmem:s7+$0x70] =	vst v1  }
0x231: {  	s5 =	simm.s32 $0x1F00;
	[tilespmem:s7+$0xFFFFFF70] =	vst v3  }
0x232: {  	[spmem:s1] =	stream.indirect.scatter.add.f32 [tilespmem:s26], [sflag:$0x6], $0x80, s5, s23, $0xb8;
	[tilespmem:$0x1E0F8] =	vst v63  }
0x233: {  	_ = 	snop  }
0x234: {  	[spmem:s4] =	stream.indirect.scatter.add.f32 [tilespmem:s31], [sflag:$0x6], $0x1, s5, s23, $0xb8;
	[tilespmem:$0x1E0F8] =	vst v63  }
0x235: {  	_ =	swait.ge [sflag:s9], $0x2000  }
0x236: {  	[sflag:s9] =	ssyncset.done $0x0  }
0x237: {  	[sflag:s9] =	ssyncadd.s32 $0xFFFFE000  }
0x238: {  	_ =	swait.ge [sflag:s9], $0x40  }
0x239: {  	[sflag:s9] =	ssyncset.done $0x0  }
0x23a: {  	[sflag:s9] =	ssyncadd.s32 $0xFFFFFFC0  }
0x23b: {  	_ =	swait.ge [sflag:s12], $0x2000  }
0x23c: {  	[sflag:s12] =	ssyncset.done $0x0  }
0x23d: {  	[sflag:s12] =	ssyncadd.s32 $0xFFFFE000  }
0x23e: {  	_ =	swait.ge [sflag:s12], $0x40  }
0x23f: {  	[sflag:s12] =	ssyncset.done $0x0  }
0x240: {  	[sflag:s12] =	ssyncadd.s32 $0xFFFFFFC0  }
0x241: {  	[bflag:$0x0] =	sbarrier.arrive $0xFFFF  }
0x242: {  	s20 =	rddreg [dreg:$0xd]  }
0x243: {  	s13 =	rddreg [dreg:$0x11]  }
0x244: {  	[hbm:s20], [sflag:s10] =	dma.local [spmem:s13], $0x2780  }
0x245: {  	_ =	swait.ge [sflag:s21], $0x2780  }
0x246: {  	[sflag:s21] =	ssyncset.done $0x0;
	s18 =	rddreg [dreg:$0xb]  }
0x247: {  	s7 =	rddreg [dreg:$0xf];
	[sflag:s21] =	ssyncadd.s32 $0xFFFFD880;
	s5 =	sshrl.u32 @p2 s18, $0x3  }
0x248: {  	[hbm:s7], [sflag:s10] =	dma.local @p2 [spmem:s5], $0x40  }
0x249: {  	s5 =	simm.s32 @p2 $0x7  }
0x24a: {  	_ =	swait.ge @p2 [sflag:s5], $0x40  }
0x24b: {  	[sflag:s5] =	ssyncset.done @p2 $0x0  }
0x24c: {  	[sflag:s5] =	ssyncadd.s32 @p2 $0xFFFFFFC0;
	s5 =	rddreg [dreg:$0x9]  }
0x24d: {  	s7 =	rddreg [dreg:$0xe];
	s5 =	sshrl.u32 @!p2 s5, $0x3  }
0x24e: {  	[hbm:s7], [sflag:s10] =	dma.local @!p2 [spmem:s5], $0x50  }
0x24f: {  	s5 =	simm.s32 @!p2 $0x7  }
0x250: {  	_ =	swait.ge @!p2 [sflag:s5], $0x50  }
0x251: {  	s17 =	rddreg [dreg:$0x6]  }
0x252: {  	s22 =	rddreg [dreg:$0x10];
	s17 =	sadd.s32 $0x1, s17  }
0x253: {  	p3 =	sne.s32 s17, s22  }
.Ltmp7:
0x254: {  	_ = 	snop;
	(pc) =	sbr.rel @p3 .LBB2_1-.Ltmp7, $3  }
0x255: {  	_ =	sdelay $0x1  }
0x256: {  	[sflag:s5] =	ssyncset.done @!p2 $0x0  }
0x257: {  	[sflag:s5] =	ssyncadd.s32 @!p2 $0xFFFFFFB0  }
0x258: {  	_ =	sfence.sel $0x180000  }
0x259: {  	[bflag:$0x0] =	sbarrier.arrive $0xFFFF  }
0x25a: {  	_ =	strace $0x90000047  }
0x25b: {  	s0 =	stileid.u32;
	[bflag:$0x2] =	sbarrier.arrive $0xFFFF  }
0x25c: {  	p0 =	sne.s32 s0, $0x0;
	s0 =	rddreg [dreg:$0x5]  }
0x25d: {  	s0 =	sadd.s32 @!p0 $0x100000, s0  }
0x25e: {  	[sflag:s0] =	ssyncadd.tile.s32 @!p0 $0x1;
	_ =	shalt  }
.Lfunc_end2:
_tile_overlayer_lowered:
.L_overlay_start_2:
0x25f: {  	(tag) =	ssettag $0x2  }
0x260: {  	s0 =	rddreg [dreg:$0x0];
	s2 =	stileid.u32  }
0x261: {  	s1 =	rddreg [dreg:$0x1];
	p0 =	sne.s32 s2, $0x0  }
0x262: {  	s3 =	rddreg [dreg:$0x2];
	[bflag:$0x3] =	sbarrier.arrive $0xFFFF;
	s2 =	simm.s32 @!p0 $0x1C07  }
0x263: {  	[timem:s3], [sflag:s2] =	dma.local @!p0 [hbm:s0], s1  }
0x264: {  	s0 =	simm.s32 @!p0 $0x7  }
0x265: {  	_ =	swait.ge @!p0 [sflag:s0], s1  }
0x266: {  	s1 =	ssub.s32 @!p0 $0x0, s1;
	[sflag:s0] =	ssyncset.done @!p0 $0x0  }
0x267: {  	[sflag:s0] =	ssyncadd.s32 @!p0 s1  }
0x268: {  	[bflag:$0x3] =	sbarrier.arrive $0xFFFF  }
0x269: {  	_ =	shalt  }

</sc_bundles>
